<compile_context>
chip_gen: v7x
topology: tpu7x:2x2x1
jax: 0.10.2.dev20260603
libtpu: 0.0.44.dev20260713+nightly
codegen_flags: <defaults>
</compile_context>

<pallas_src>
import functools

import jax
import jax.numpy as jnp
from jax.experimental import pallas as pl
from jax.experimental.pallas import tpu as pltpu

_C = 192
_N = 196
_K = 9
_IMB = 2


def _resize_kernel(x_ref, rt_ref, o_ref):
    o_ref[...] = jnp.dot(x_ref[...], rt_ref[...].astype(x_ref.dtype),
                         preferred_element_type=jnp.float32
                         ).astype(o_ref.dtype)


def _matmul_resize(x2d, rt, rows_per_step, out_dtype=jnp.float32):
    m, _ = x2d.shape
    grid = m // rows_per_step
    return pl.pallas_call(
        _resize_kernel,
        grid=(grid,),
        in_specs=[
            pl.BlockSpec((rows_per_step, 32), lambda i: (i, 0)),
            pl.BlockSpec((32, 224), lambda i: (0, 0)),
        ],
        out_specs=pl.BlockSpec((rows_per_step, 224), lambda i: (i, 0)),
        out_shape=jax.ShapeDtypeStruct((m, 224), out_dtype),
    )(x2d, rt)


def _graph_kernel(p_ref, wp_ref, bp_ref, wg1_ref, wg2_ref, bg_ref,
                  w1_ref, b1_ref, w2_ref, b2_ref, out_ref):
    pm = p_ref[...].reshape(_IMB * _N, 768)
    h_all = (jnp.dot(pm, wp_ref[...], preferred_element_type=jnp.float32)
             + bp_ref[...])
    iota0 = jax.lax.broadcasted_iota(jnp.int32, (_N, _N), 0)
    rows = []
    for m in range(_IMB):
        hm = h_all[m * _N:(m + 1) * _N, :]
        hm_bf = hm.astype(jnp.bfloat16)
        sq = jnp.sum(hm * hm, axis=1, keepdims=True)
        gram = jnp.dot(hm, hm.T, preferred_element_type=jnp.float32)
        d = sq - 2.0 * gram
        gmax = jnp.full((_N, _C), -jnp.inf, jnp.float32)
        for _ in range(_K):
            amin = jnp.argmin(d, axis=0)[None, :]
            oh = (iota0 == amin)
            row = jax.lax.dot_general(
                oh.astype(jnp.bfloat16), hm_bf,
                (((0,), (0,)), ((), ())),
                preferred_element_type=jnp.float32)
            gmax = jnp.maximum(gmax, row)
            d = jnp.where(oh, jnp.inf, d)
        mx_bf = (gmax - hm).astype(jnp.bfloat16)
        g = (jnp.dot(hm_bf, wg1_ref[...], preferred_element_type=jnp.float32)
             + jnp.dot(mx_bf, wg2_ref[...], preferred_element_type=jnp.float32)
             + bg_ref[...])
        h2 = hm + g
        f1 = jax.nn.gelu(jnp.dot(h2.astype(jnp.bfloat16), w1_ref[...],
                                 preferred_element_type=jnp.float32)
                         + b1_ref[...])
        f = (jnp.dot(f1.astype(jnp.bfloat16), w2_ref[...],
                     preferred_element_type=jnp.float32)
             + b2_ref[...])
        h3 = h2 + f
        rows.append(jnp.mean(h3, axis=0, keepdims=True))
    out_ref[...] = jnp.concatenate(rows, axis=0)[None]


def _head_kernel(z_ref, wh1_ref, bh1_ref, wh2_ref, bh2_ref, out_ref):
    t = jax.nn.gelu(jnp.dot(z_ref[...], wh1_ref[...],
                            preferred_element_type=jnp.float32)
                    + bh1_ref[...])
    out_ref[...] = (jnp.dot(t, wh2_ref[...],
                            preferred_element_type=jnp.float32)
                    + bh2_ref[...])


def kernel(x, Wp, bp, Wg, bg, W1, b1, W2, b2, Wh1, bh1, Wh2, bh2):
    b = x.shape[0]
    r = jax.image.resize(jnp.eye(32, dtype=jnp.float32), (224, 32),
                         method='bilinear')
    rt = r.T

    y = _matmul_resize(x.reshape(b * 96, 32), rt, rows_per_step=b * 96,
                       out_dtype=jnp.bfloat16)
    yt = y.reshape(b, 3, 32, 224).transpose(0, 3, 1, 2).reshape(b * 672, 32)
    u = _matmul_resize(yt, rt, rows_per_step=4096, out_dtype=jnp.bfloat16)
    p = (u.reshape(b, 14, 16, 3, 14, 16)
         .transpose(0, 4, 1, 3, 5, 2)
         .reshape(b, _N, 768))

    wspec = lambda *s: pl.BlockSpec(s, lambda i: (0,) * len(s))
    pooled = pl.pallas_call(
        _graph_kernel,
        grid=(b // _IMB,),
        in_specs=[
            pl.BlockSpec((_IMB, _N, 768), lambda i: (i, 0, 0)),
            wspec(768, _C),
            wspec(1, _C),
            wspec(_C, _C),
            wspec(_C, _C),
            wspec(1, _C),
            wspec(_C, 4 * _C),
            wspec(1, 4 * _C),
            wspec(4 * _C, _C),
            wspec(1, _C),
        ],
        out_specs=pl.BlockSpec((1, _IMB, _C), lambda i: (i, 0, 0)),
        out_shape=jax.ShapeDtypeStruct((b // _IMB, _IMB, _C), jnp.float32),
    )(p, Wp.astype(jnp.bfloat16), bp.reshape(1, _C),
      Wg[:_C].astype(jnp.bfloat16), Wg[_C:].astype(jnp.bfloat16),
      bg.reshape(1, _C),
      W1.astype(jnp.bfloat16), b1.reshape(1, 4 * _C),
      W2.astype(jnp.bfloat16), b2.reshape(1, _C))
    pooled = pooled.reshape(b, _C)

    out = pl.pallas_call(
        _head_kernel,
        in_specs=[
            pl.BlockSpec((b, _C), lambda: (0, 0)),
            pl.BlockSpec((_C, 1024), lambda: (0, 0)),
            pl.BlockSpec((1, 1024), lambda: (0, 0)),
            pl.BlockSpec((1024, 10), lambda: (0, 0)),
            pl.BlockSpec((1, 10), lambda: (0, 0)),
        ],
        out_specs=pl.BlockSpec((b, 10), lambda: (0, 0)),
        out_shape=jax.ShapeDtypeStruct((b, 10), jnp.float32),
    )(pooled, Wh1, bh1.reshape(1, 1024), Wh2, bh2.reshape(1, 10))
    return out

# --- scband reference (transcript-rebuilt; emitter-appended) ---
"""Pipeline reference for scband-vig-cifar10-88364657148261 (READ-ONLY COPY).

The authoritative reference and input builder live on the scoring server;
editing this copy changes nothing except your own understanding.
"""

import jax, jax.numpy as jnp
import numpy as np

B, C, K, N = 128, 192, 9, 196

def setup_inputs(seed: int = 0) -> dict:
    key = jax.random.key(seed)
    ks = jax.random.split(key, 16)
    s = lambda k, sh, fan: jax.random.normal(k, sh, dtype=jnp.float32) * (1.0 / np.sqrt(fan))
    inp = {
        'x':  jax.random.normal(ks[0], (B, 3, 32, 32), dtype=jnp.float32),
        'Wp': s(ks[1], (3 * 16 * 16, C), 3 * 16 * 16),
        'bp': jnp.zeros((C,), jnp.float32),
        'Wg': s(ks[2], (2 * C, C), 2 * C),
        'bg': jnp.zeros((C,), jnp.float32),
        'W1': s(ks[3], (C, 4 * C), C),
        'b1': jnp.zeros((4 * C,), jnp.float32),
        'W2': s(ks[4], (4 * C, C), 4 * C),
        'b2': jnp.zeros((C,), jnp.float32),
        'Wh1': s(ks[5], (C, 1024), C),
        'bh1': jnp.zeros((1024,), jnp.float32),
        'Wh2': s(ks[6], (1024, 10), 1024),
        'bh2': jnp.zeros((10,), jnp.float32),
    }
    return inp


def reference(x, Wp, bp, Wg, bg, W1, b1, W2, b2, Wh1, bh1, Wh2, bh2):
    b = x.shape[0]
    # bilinear upsample to 224 (align_corners=False semantics ~ jax.image.resize)
    x = jax.image.resize(x, (b, 3, 224, 224), method='bilinear')
    # patchify into 16x16 patches -> 14x14 = 196 node tokens
    p = x.reshape(b, 3, 14, 16, 14, 16).transpose(0, 2, 4, 1, 3, 5).reshape(b, N, 3 * 16 * 16)
    h = p @ Wp + bp  # [B, N, C] node features
    # dynamic knn graph construction (dense pairwise distances + top-k)
    sq = jnp.sum(h * h, axis=-1)
    dist = sq[:, :, None] + sq[:, None, :] - 2.0 * (h @ jnp.swapaxes(h, 1, 2))
    _, idx = jax.lax.top_k(-dist, K)  # [B, N, K] neighbor indices
    # max-relative graph conv (MRConv): gather neighbors, max(x_j - x_i)
    nb = jax.vmap(lambda hb, ib: hb[ib])(h, idx)  # [B, N, K, C] gather
    mx = jnp.max(nb - h[:, :, None, :], axis=2)
    g = jnp.concatenate([h, mx], axis=-1) @ Wg + bg
    h = h + g  # residual
    # FFN block
    f = jax.nn.gelu(h @ W1 + b1) @ W2 + b2
    h = h + f
    # global pool + prediction head (1024 hidden -> 10 classes for CIFAR-10)
    z = jnp.mean(h, axis=1)
    z = jax.nn.gelu(z @ Wh1 + bh1)
    return z @ Wh2 + bh2

if __name__ == "__main__":
    import jax
    _d = setup_inputs()
    print(jax.jit(kernel)(*tuple(_d.values())))

</pallas_src>

<mosaic_0001>
module attributes {stable_mosaic.version = 14 : i64} {
  func.func @_resize_kernel(%arg0: i32, %arg1: memref<12288x32xf32, #tpu.memory_space<vmem>>, %arg2: memref<32x224xf32, #tpu.memory_space<vmem>>, %arg3: memref<12288x224xbf16, #tpu.memory_space<vmem>>) attributes {dimension_semantics = [#tpu.dimension_semantics<arbitrary>], iteration_bounds = array<i64: 1>, scalar_prefetch = 0 : i64, scratch_operands = 0 : i64, tpu.core_type = #tpu.core_type<tc>, window_params = [{transform_indices = @transform_0, window_bounds = array<i64: 12288, 32>}, {pipeline_mode = #tpu.pipeline_mode<synchronous>, transform_indices = @transform_1, window_bounds = array<i64: 32, 224>}, {transform_indices = @transform_2, window_bounds = array<i64: 12288, 224>}]} {
    %get3A = arith.constant 0 : index
    %get3A_0 = arith.constant 0 : index
    %get3A_1 = vector.load %arg1[%get3A, %get3A_0] : memref<12288x32xf32, #tpu.memory_space<vmem>>, vector<12288x32xf32>
    %get3A_2 = arith.constant 0 : index
    %get3A_3 = arith.constant 0 : index
    %get3A_4 = vector.load %arg2[%get3A_2, %get3A_3] : memref<32x224xf32, #tpu.memory_space<vmem>>, vector<32x224xf32>
    %dot_general3A = arith.constant dense<0.000000e+00> : vector<12288x224xf32>
    %dot_general3A_5 = tpu.matmul %get3A_1, %get3A_4, %dot_general3A {dimension_numbers = #tpu.dot_dimension_numbers<[1], [0], [0], [1], [0, 0, 1, 1], [], []>, transpose_lhs_hint = false} : vector<12288x32xf32>, vector<32x224xf32>, vector<12288x224xf32> -> vector<12288x224xf32>
    %convert_element_type3A = arith.truncf %dot_general3A_5 : vector<12288x224xf32> to vector<12288x224xbf16>
    %swap3A = arith.constant 0 : index
    %swap3A_6 = arith.constant 0 : index
    %swap3A_7 = vector.load %arg3[%swap3A, %swap3A_6] : memref<12288x224xbf16, #tpu.memory_space<vmem>>, vector<12288x224xbf16>
    tpu.vector_store %arg3[%swap3A, %swap3A_6], %convert_element_type3A {strides = array<i32>} : memref<12288x224xbf16, #tpu.memory_space<vmem>>, vector<12288x224xbf16>,
    return
  }
  func.func @transform_0(%arg0: i32) -> (i32, i32) {
    %c0_i32 = arith.constant 0 : i32
    %c0_i32_0 = arith.constant 0 : i32
    return %arg0, %c0_i32 : i32, i32
  }
  func.func @transform_1(%arg0: i32) -> (i32, i32) {
    %c0_i32 = arith.constant 0 : i32
    %c0_i32_0 = arith.constant 0 : i32
    %c0_i32_1 = arith.constant 0 : i32
    return %c0_i32, %c0_i32_0 : i32, i32
  }
  func.func @transform_2(%arg0: i32) -> (i32, i32) {
    %c0_i32 = arith.constant 0 : i32
    %c0_i32_0 = arith.constant 0 : i32
    return %arg0, %c0_i32 : i32, i32
  }
}

module attributes {stable_mosaic.version = 14 : i64} {
  func.func @_resize_kernel(%arg0: i32, %arg1: memref<4096x32xbf16, #tpu.memory_space<vmem>>, %arg2: memref<32x224xf32, #tpu.memory_space<vmem>>, %arg3: memref<4096x224xbf16, #tpu.memory_space<vmem>>) attributes {dimension_semantics = [#tpu.dimension_semantics<arbitrary>], iteration_bounds = array<i64: 21>, scalar_prefetch = 0 : i64, scratch_operands = 0 : i64, tpu.core_type = #tpu.core_type<tc>, window_params = [{transform_indices = @transform_0, window_bounds = array<i64: 4096, 32>}, {pipeline_mode = #tpu.pipeline_mode<synchronous>, transform_indices = @transform_1, window_bounds = array<i64: 32, 224>}, {transform_indices = @transform_2, window_bounds = array<i64: 4096, 224>}]} {
    %get3A = arith.constant 0 : index
    %get3A_0 = arith.constant 0 : index
    %get3A_1 = vector.load %arg1[%get3A, %get3A_0] : memref<4096x32xbf16, #tpu.memory_space<vmem>>, vector<4096x32xbf16>
    %get3A_2 = arith.constant 0 : index
    %get3A_3 = arith.constant 0 : index
    %get3A_4 = vector.load %arg2[%get3A_2, %get3A_3] : memref<32x224xf32, #tpu.memory_space<vmem>>, vector<32x224xf32>
    %convert_element_type3A = arith.truncf %get3A_4 : vector<32x224xf32> to vector<32x224xbf16>
    %dot_general3A = arith.constant dense<0.000000e+00> : vector<4096x224xf32>
    %dot_general3A_5 = tpu.matmul %get3A_1, %convert_element_type3A, %dot_general3A {dimension_numbers = #tpu.dot_dimension_numbers<[1], [0], [0], [1], [0, 0, 1, 1], [], []>, transpose_lhs_hint = false} : vector<4096x32xbf16>, vector<32x224xbf16>, vector<4096x224xf32> -> vector<4096x224xf32>
    %convert_element_type3A_6 = arith.truncf %dot_general3A_5 : vector<4096x224xf32> to vector<4096x224xbf16>
    %swap3A = arith.constant 0 : index
    %swap3A_7 = arith.constant 0 : index
    %swap3A_8 = vector.load %arg3[%swap3A, %swap3A_7] : memref<4096x224xbf16, #tpu.memory_space<vmem>>, vector<4096x224xbf16>
    tpu.vector_store %arg3[%swap3A, %swap3A_7], %convert_element_type3A_6 {strides = array<i32>} : memref<4096x224xbf16, #tpu.memory_space<vmem>>, vector<4096x224xbf16>,
    return
  }
  func.func @transform_0(%arg0: i32) -> (i32, i32) {
    %c0_i32 = arith.constant 0 : i32
    %c0_i32_0 = arith.constant 0 : i32
    return %arg0, %c0_i32 : i32, i32
  }
  func.func @transform_1(%arg0: i32) -> (i32, i32) {
    %c0_i32 = arith.constant 0 : i32
    %c0_i32_0 = arith.constant 0 : i32
    %c0_i32_1 = arith.constant 0 : i32
    return %c0_i32, %c0_i32_0 : i32, i32
  }
  func.func @transform_2(%arg0: i32) -> (i32, i32) {
    %c0_i32 = arith.constant 0 : i32
    %c0_i32_0 = arith.constant 0 : i32
    return %arg0, %c0_i32 : i32, i32
  }
}

module attributes {stable_mosaic.version = 14 : i64} {
  func.func @_graph_kernel(%arg0: i32, %arg1: memref<2x196x768xbf16, #tpu.memory_space<vmem>>, %arg2: memref<768x192xbf16, #tpu.memory_space<vmem>>, %arg3: memref<1x192xf32, #tpu.memory_space<vmem>>, %arg4: memref<192x192xbf16, #tpu.memory_space<vmem>>, %arg5: memref<192x192xbf16, #tpu.memory_space<vmem>>, %arg6: memref<1x192xf32, #tpu.memory_space<vmem>>, %arg7: memref<192x768xbf16, #tpu.memory_space<vmem>>, %arg8: memref<1x768xf32, #tpu.memory_space<vmem>>, %arg9: memref<768x192xbf16, #tpu.memory_space<vmem>>, %arg10: memref<1x192xf32, #tpu.memory_space<vmem>>, %arg11: memref<1x2x192xf32, #tpu.memory_space<vmem>>) attributes {dimension_semantics = [#tpu.dimension_semantics<arbitrary>], iteration_bounds = array<i64: 64>, scalar_prefetch = 0 : i64, scratch_operands = 0 : i64, tpu.core_type = #tpu.core_type<tc>, window_params = [{transform_indices = @transform_0, window_bounds = array<i64: 2, 196, 768>}, {pipeline_mode = #tpu.pipeline_mode<synchronous>, transform_indices = @transform_1, window_bounds = array<i64: 768, 192>}, {pipeline_mode = #tpu.pipeline_mode<synchronous>, transform_indices = @transform_2, window_bounds = array<i64: 1, 192>}, {pipeline_mode = #tpu.pipeline_mode<synchronous>, transform_indices = @transform_3, window_bounds = array<i64: 192, 192>}, {pipeline_mode = #tpu.pipeline_mode<synchronous>, transform_indices = @transform_4, window_bounds = array<i64: 192, 192>}, {pipeline_mode = #tpu.pipeline_mode<synchronous>, transform_indices = @transform_5, window_bounds = array<i64: 1, 192>}, {pipeline_mode = #tpu.pipeline_mode<synchronous>, transform_indices = @transform_6, window_bounds = array<i64: 192, 768>}, {pipeline_mode = #tpu.pipeline_mode<synchronous>, transform_indices = @transform_7, window_bounds = array<i64: 1, 768>}, {pipeline_mode = #tpu.pipeline_mode<synchronous>, transform_indices = @transform_8, window_bounds = array<i64: 768, 192>}, {pipeline_mode = #tpu.pipeline_mode<synchronous>, transform_indices = @transform_9, window_bounds = array<i64: 1, 192>}, {transform_indices = @transform_10, window_bounds = array<i64: 1, 2, 192>}]} {
    %get3A = arith.constant 0 : index
    %get3A_0 = arith.constant 0 : index
    %get3A_1 = arith.constant 0 : index
    %get3A_2 = vector.load %arg1[%get3A, %get3A_0, %get3A_1] : memref<2x196x768xbf16, #tpu.memory_space<vmem>>, vector<2x196x768xbf16>
    %reshape3A = vector.shape_cast %get3A_2 : vector<2x196x768xbf16> to vector<392x768xbf16>
    %get3A_3 = arith.constant 0 : index
    %get3A_4 = arith.constant 0 : index
    %get3A_5 = vector.load %arg2[%get3A_3, %get3A_4] : memref<768x192xbf16, #tpu.memory_space<vmem>>, vector<768x192xbf16>
    %dot_general3A = arith.constant dense<0.000000e+00> : vector<392x192xf32>
    %dot_general3A_6 = tpu.matmul %reshape3A, %get3A_5, %dot_general3A {dimension_numbers = #tpu.dot_dimension_numbers<[1], [0], [0], [1], [0, 0, 1, 1], [], []>, transpose_lhs_hint = false} : vector<392x768xbf16>, vector<768x192xbf16>, vector<392x192xf32> -> vector<392x192xf32>
    %get3A_7 = arith.constant 0 : index
    %get3A_8 = arith.constant 0 : index
    %get3A_9 = vector.load %arg3[%get3A_7, %get3A_8] : memref<1x192xf32, #tpu.memory_space<vmem>>, vector<1x192xf32>
    %add3A = vector.broadcast %get3A_9 : vector<1x192xf32> to vector<392x192xf32>
    %add3A_10 = arith.addf %dot_general3A_6, %add3A : vector<392x192xf32>
    %iota3A = tpu.iota {dimensions = array<i32: 0>} : vector<196x196xi32>
    %slice3A = vector.extract_strided_slice %add3A_10 {offsets = [0, 0], sizes = [196, 192], strides = [1, 1]} : vector<392x192xf32> to vector<196x192xf32>
    %convert_element_type3A = arith.truncf %slice3A : vector<196x192xf32> to vector<196x192xbf16>
    %mul3A = arith.mulf %slice3A, %slice3A : vector<196x192xf32>
    %reduce_sum3A = arith.constant dense<0.000000e+00> : vector<196xf32>
    %reduce_sum3A_11 = vector.multi_reduction <add>, %mul3A, %reduce_sum3A [1] : vector<196x192xf32> to vector<196xf32>
    %broadcast_in_dim3A = vector.shape_cast %reduce_sum3A_11 : vector<196xf32> to vector<196x1xf32>
    %transpose3A = tpu.transpose %slice3A, [1, 0] : vector<196x192xf32> -> vector<192x196xf32>
    %dot_general3A_12 = arith.constant dense<0.000000e+00> : vector<196x196xf32>
    %dot_general3A_13 = tpu.matmul %slice3A, %transpose3A, %dot_general3A_12 {dimension_numbers = #tpu.dot_dimension_numbers<[1], [0], [0], [1], [0, 0, 1, 1], [], []>, transpose_lhs_hint = false} : vector<196x192xf32>, vector<192x196xf32>, vector<196x196xf32> -> vector<196x196xf32>
    %mul3A_14 = arith.constant 2.000000e+00 : f32
    %mul3A_15 = vector.broadcast %mul3A_14 : f32 to vector<196x196xf32>
    %mul3A_16 = arith.mulf %mul3A_15, %dot_general3A_13 : vector<196x196xf32>
    %sub3A = vector.broadcast %broadcast_in_dim3A : vector<196x1xf32> to vector<196x196xf32>
    %sub3A_17 = arith.subf %sub3A, %mul3A_16 : vector<196x196xf32>
    %broadcast_in_dim3A_18 = arith.constant 0xFF800000 : f32
    %broadcast_in_dim3A_19 = vector.broadcast %broadcast_in_dim3A_18 : f32 to vector<196x192xf32>
    %argmin3A = tpu.reduce_index %sub3A_17 {axis = 0 : i32, kind = #tpu.reduction_kind<arg_min>} : vector<196x196xf32> -> vector<196xi32>
    %broadcast_in_dim3A_20 = vector.shape_cast %argmin3A : vector<196xi32> to vector<1x196xi32>
    %eq3A = vector.broadcast %broadcast_in_dim3A_20 : vector<1x196xi32> to vector<196x196xi32>
    %eq3A_21 = arith.cmpi eq, %iota3A, %eq3A : vector<196x196xi32>
    %convert_element_type3A_22 = arith.extui %eq3A_21 : vector<196x196xi1> to vector<196x196xi32>
    %convert_element_type3A_23 = arith.sitofp %convert_element_type3A_22 : vector<196x196xi32> to vector<196x196xf32>
    %convert_element_type3A_24 = arith.truncf %convert_element_type3A_23 : vector<196x196xf32> to vector<196x196xbf16>
    %dot_general3A_25 = arith.constant dense<0.000000e+00> : vector<196x192xf32>
    %dot_general3A_26 = tpu.matmul %convert_element_type3A_24, %convert_element_type3A, %dot_general3A_25 {dimension_numbers = #tpu.dot_dimension_numbers<[0], [0], [1], [1], [0, 1, 1, 1], [], []>, transpose_lhs_hint = false} : vector<196x196xbf16>, vector<196x192xbf16>, vector<196x192xf32> -> vector<196x192xf32>
    %max3A = arith.maximumf %broadcast_in_dim3A_19, %dot_general3A_26 : vector<196x192xf32>
    %jit3A = arith.constant 0x7F800000 : f32
    %broadcast_in_dim3A_27 = vector.broadcast %jit3A : f32 to vector<196x196xf32>
    %select_n3A = arith.select %eq3A_21, %broadcast_in_dim3A_27, %sub3A_17 : vector<196x196xi1>, vector<196x196xf32>
    %argmin3A_28 = tpu.reduce_index %select_n3A {axis = 0 : i32, kind = #tpu.reduction_kind<arg_min>} : vector<196x196xf32> -> vector<196xi32>
    %broadcast_in_dim3A_29 = vector.shape_cast %argmin3A_28 : vector<196xi32> to vector<1x196xi32>
    %eq3A_30 = vector.broadcast %broadcast_in_dim3A_29 : vector<1x196xi32> to vector<196x196xi32>
    %eq3A_31 = arith.cmpi eq, %iota3A, %eq3A_30 : vector<196x196xi32>
    %convert_element_type3A_32 = arith.extui %eq3A_31 : vector<196x196xi1> to vector<196x196xi32>
    %convert_element_type3A_33 = arith.sitofp %convert_element_type3A_32 : vector<196x196xi32> to vector<196x196xf32>
    %convert_element_type3A_34 = arith.truncf %convert_element_type3A_33 : vector<196x196xf32> to vector<196x196xbf16>
    %dot_general3A_35 = arith.constant dense<0.000000e+00> : vector<196x192xf32>
    %dot_general3A_36 = tpu.matmul %convert_element_type3A_34, %convert_element_type3A, %dot_general3A_35 {dimension_numbers = #tpu.dot_dimension_numbers<[0], [0], [1], [1], [0, 1, 1, 1], [], []>, transpose_lhs_hint = false} : vector<196x196xbf16>, vector<196x192xbf16>, vector<196x192xf32> -> vector<196x192xf32>
    %max3A_37 = arith.maximumf %max3A, %dot_general3A_36 : vector<196x192xf32>
    %jit3A_38 = arith.constant 0x7F800000 : f32
    %broadcast_in_dim3A_39 = vector.broadcast %jit3A_38 : f32 to vector<196x196xf32>
    %select_n3A_40 = arith.select %eq3A_31, %broadcast_in_dim3A_39, %select_n3A : vector<196x196xi1>, vector<196x196xf32>
    %argmin3A_41 = tpu.reduce_index %select_n3A_40 {axis = 0 : i32, kind = #tpu.reduction_kind<arg_min>} : vector<196x196xf32> -> vector<196xi32>
    %broadcast_in_dim3A_42 = vector.shape_cast %argmin3A_41 : vector<196xi32> to vector<1x196xi32>
    %eq3A_43 = vector.broadcast %broadcast_in_dim3A_42 : vector<1x196xi32> to vector<196x196xi32>
    %eq3A_44 = arith.cmpi eq, %iota3A, %eq3A_43 : vector<196x196xi32>
    %convert_element_type3A_45 = arith.extui %eq3A_44 : vector<196x196xi1> to vector<196x196xi32>
    %convert_element_type3A_46 = arith.sitofp %convert_element_type3A_45 : vector<196x196xi32> to vector<196x196xf32>
    %convert_element_type3A_47 = arith.truncf %convert_element_type3A_46 : vector<196x196xf32> to vector<196x196xbf16>
    %dot_general3A_48 = arith.constant dense<0.000000e+00> : vector<196x192xf32>
    %dot_general3A_49 = tpu.matmul %convert_element_type3A_47, %convert_element_type3A, %dot_general3A_48 {dimension_numbers = #tpu.dot_dimension_numbers<[0], [0], [1], [1], [0, 1, 1, 1], [], []>, transpose_lhs_hint = false} : vector<196x196xbf16>, vector<196x192xbf16>, vector<196x192xf32> -> vector<196x192xf32>
    %max3A_50 = arith.maximumf %max3A_37, %dot_general3A_49 : vector<196x192xf32>
    %jit3A_51 = arith.constant 0x7F800000 : f32
    %broadcast_in_dim3A_52 = vector.broadcast %jit3A_51 : f32 to vector<196x196xf32>
    %select_n3A_53 = arith.select %eq3A_44, %broadcast_in_dim3A_52, %select_n3A_40 : vector<196x196xi1>, vector<196x196xf32>
    %argmin3A_54 = tpu.reduce_index %select_n3A_53 {axis = 0 : i32, kind = #tpu.reduction_kind<arg_min>} : vector<196x196xf32> -> vector<196xi32>
    %broadcast_in_dim3A_55 = vector.shape_cast %argmin3A_54 : vector<196xi32> to vector<1x196xi32>
    %eq3A_56 = vector.broadcast %broadcast_in_dim3A_55 : vector<1x196xi32> to vector<196x196xi32>
    %eq3A_57 = arith.cmpi eq, %iota3A, %eq3A_56 : vector<196x196xi32>
    %convert_element_type3A_58 = arith.extui %eq3A_57 : vector<196x196xi1> to vector<196x196xi32>
    %convert_element_type3A_59 = arith.sitofp %convert_element_type3A_58 : vector<196x196xi32> to vector<196x196xf32>
    %convert_element_type3A_60 = arith.truncf %convert_element_type3A_59 : vector<196x196xf32> to vector<196x196xbf16>
    %dot_general3A_61 = arith.constant dense<0.000000e+00> : vector<196x192xf32>
    %dot_general3A_62 = tpu.matmul %convert_element_type3A_60, %convert_element_type3A, %dot_general3A_61 {dimension_numbers = #tpu.dot_dimension_numbers<[0], [0], [1], [1], [0, 1, 1, 1], [], []>, transpose_lhs_hint = false} : vector<196x196xbf16>, vector<196x192xbf16>, vector<196x192xf32> -> vector<196x192xf32>
    %max3A_63 = arith.maximumf %max3A_50, %dot_general3A_62 : vector<196x192xf32>
    %jit3A_64 = arith.constant 0x7F800000 : f32
    %broadcast_in_dim3A_65 = vector.broadcast %jit3A_64 : f32 to vector<196x196xf32>
    %select_n3A_66 = arith.select %eq3A_57, %broadcast_in_dim3A_65, %select_n3A_53 : vector<196x196xi1>, vector<196x196xf32>
    %argmin3A_67 = tpu.reduce_index %select_n3A_66 {axis = 0 : i32, kind = #tpu.reduction_kind<arg_min>} : vector<196x196xf32> -> vector<196xi32>
    %broadcast_in_dim3A_68 = vector.shape_cast %argmin3A_67 : vector<196xi32> to vector<1x196xi32>
    %eq3A_69 = vector.broadcast %broadcast_in_dim3A_68 : vector<1x196xi32> to vector<196x196xi32>
    %eq3A_70 = arith.cmpi eq, %iota3A, %eq3A_69 : vector<196x196xi32>
    %convert_element_type3A_71 = arith.extui %eq3A_70 : vector<196x196xi1> to vector<196x196xi32>
    %convert_element_type3A_72 = arith.sitofp %convert_element_type3A_71 : vector<196x196xi32> to vector<196x196xf32>
    %convert_element_type3A_73 = arith.truncf %convert_element_type3A_72 : vector<196x196xf32> to vector<196x196xbf16>
    %dot_general3A_74 = arith.constant dense<0.000000e+00> : vector<196x192xf32>
    %dot_general3A_75 = tpu.matmul %convert_element_type3A_73, %convert_element_type3A, %dot_general3A_74 {dimension_numbers = #tpu.dot_dimension_numbers<[0], [0], [1], [1], [0, 1, 1, 1], [], []>, transpose_lhs_hint = false} : vector<196x196xbf16>, vector<196x192xbf16>, vector<196x192xf32> -> vector<196x192xf32>
    %max3A_76 = arith.maximumf %max3A_63, %dot_general3A_75 : vector<196x192xf32>
    %jit3A_77 = arith.constant 0x7F800000 : f32
    %broadcast_in_dim3A_78 = vector.broadcast %jit3A_77 : f32 to vector<196x196xf32>
    %select_n3A_79 = arith.select %eq3A_70, %broadcast_in_dim3A_78, %select_n3A_66 : vector<196x196xi1>, vector<196x196xf32>
    %argmin3A_80 = tpu.reduce_index %select_n3A_79 {axis = 0 : i32, kind = #tpu.reduction_kind<arg_min>} : vector<196x196xf32> -> vector<196xi32>
    %broadcast_in_dim3A_81 = vector.shape_cast %argmin3A_80 : vector<196xi32> to vector<1x196xi32>
    %eq3A_82 = vector.broadcast %broadcast_in_dim3A_81 : vector<1x196xi32> to vector<196x196xi32>
    %eq3A_83 = arith.cmpi eq, %iota3A, %eq3A_82 : vector<196x196xi32>
    %convert_element_type3A_84 = arith.extui %eq3A_83 : vector<196x196xi1> to vector<196x196xi32>
    %convert_element_type3A_85 = arith.sitofp %convert_element_type3A_84 : vector<196x196xi32> to vector<196x196xf32>
    %convert_element_type3A_86 = arith.truncf %convert_element_type3A_85 : vector<196x196xf32> to vector<196x196xbf16>
    %dot_general3A_87 = arith.constant dense<0.000000e+00> : vector<196x192xf32>
    %dot_general3A_88 = tpu.matmul %convert_element_type3A_86, %convert_element_type3A, %dot_general3A_87 {dimension_numbers = #tpu.dot_dimension_numbers<[0], [0], [1], [1], [0, 1, 1, 1], [], []>, transpose_lhs_hint = false} : vector<196x196xbf16>, vector<196x192xbf16>, vector<196x192xf32> -> vector<196x192xf32>
    %max3A_89 = arith.maximumf %max3A_76, %dot_general3A_88 : vector<196x192xf32>
    %jit3A_90 = arith.constant 0x7F800000 : f32
    %broadcast_in_dim3A_91 = vector.broadcast %jit3A_90 : f32 to vector<196x196xf32>
    %select_n3A_92 = arith.select %eq3A_83, %broadcast_in_dim3A_91, %select_n3A_79 : vector<196x196xi1>, vector<196x196xf32>
    %argmin3A_93 = tpu.reduce_index %select_n3A_92 {axis = 0 : i32, kind = #tpu.reduction_kind<arg_min>} : vector<196x196xf32> -> vector<196xi32>
    %broadcast_in_dim3A_94 = vector.shape_cast %argmin3A_93 : vector<196xi32> to vector<1x196xi32>
    %eq3A_95 = vector.broadcast %broadcast_in_dim3A_94 : vector<1x196xi32> to vector<196x196xi32>
    %eq3A_96 = arith.cmpi eq, %iota3A, %eq3A_95 : vector<196x196xi32>
    %convert_element_type3A_97 = arith.extui %eq3A_96 : vector<196x196xi1> to vector<196x196xi32>
    %convert_element_type3A_98 = arith.sitofp %convert_element_type3A_97 : vector<196x196xi32> to vector<196x196xf32>
    %convert_element_type3A_99 = arith.truncf %convert_element_type3A_98 : vector<196x196xf32> to vector<196x196xbf16>
    %dot_general3A_100 = arith.constant dense<0.000000e+00> : vector<196x192xf32>
    %dot_general3A_101 = tpu.matmul %convert_element_type3A_99, %convert_element_type3A, %dot_general3A_100 {dimension_numbers = #tpu.dot_dimension_numbers<[0], [0], [1], [1], [0, 1, 1, 1], [], []>, transpose_lhs_hint = false} : vector<196x196xbf16>, vector<196x192xbf16>, vector<196x192xf32> -> vector<196x192xf32>
    %max3A_102 = arith.maximumf %max3A_89, %dot_general3A_101 : vector<196x192xf32>
    %jit3A_103 = arith.constant 0x7F800000 : f32
    %broadcast_in_dim3A_104 = vector.broadcast %jit3A_103 : f32 to vector<196x196xf32>
    %select_n3A_105 = arith.select %eq3A_96, %broadcast_in_dim3A_104, %select_n3A_92 : vector<196x196xi1>, vector<196x196xf32>
    %argmin3A_106 = tpu.reduce_index %select_n3A_105 {axis = 0 : i32, kind = #tpu.reduction_kind<arg_min>} : vector<196x196xf32> -> vector<196xi32>
    %broadcast_in_dim3A_107 = vector.shape_cast %argmin3A_106 : vector<196xi32> to vector<1x196xi32>
    %eq3A_108 = vector.broadcast %broadcast_in_dim3A_107 : vector<1x196xi32> to vector<196x196xi32>
    %eq3A_109 = arith.cmpi eq, %iota3A, %eq3A_108 : vector<196x196xi32>
    %convert_element_type3A_110 = arith.extui %eq3A_109 : vector<196x196xi1> to vector<196x196xi32>
    %convert_element_type3A_111 = arith.sitofp %convert_element_type3A_110 : vector<196x196xi32> to vector<196x196xf32>
    %convert_element_type3A_112 = arith.truncf %convert_element_type3A_111 : vector<196x196xf32> to vector<196x196xbf16>
    %dot_general3A_113 = arith.constant dense<0.000000e+00> : vector<196x192xf32>
    %dot_general3A_114 = tpu.matmul %convert_element_type3A_112, %convert_element_type3A, %dot_general3A_113 {dimension_numbers = #tpu.dot_dimension_numbers<[0], [0], [1], [1], [0, 1, 1, 1], [], []>, transpose_lhs_hint = false} : vector<196x196xbf16>, vector<196x192xbf16>, vector<196x192xf32> -> vector<196x192xf32>
    %max3A_115 = arith.maximumf %max3A_102, %dot_general3A_114 : vector<196x192xf32>
    %jit3A_116 = arith.constant 0x7F800000 : f32
    %broadcast_in_dim3A_117 = vector.broadcast %jit3A_116 : f32 to vector<196x196xf32>
    %select_n3A_118 = arith.select %eq3A_109, %broadcast_in_dim3A_117, %select_n3A_105 : vector<196x196xi1>, vector<196x196xf32>
    %argmin3A_119 = tpu.reduce_index %select_n3A_118 {axis = 0 : i32, kind = #tpu.reduction_kind<arg_min>} : vector<196x196xf32> -> vector<196xi32>
    %broadcast_in_dim3A_120 = vector.shape_cast %argmin3A_119 : vector<196xi32> to vector<1x196xi32>
    %eq3A_121 = vector.broadcast %broadcast_in_dim3A_120 : vector<1x196xi32> to vector<196x196xi32>
    %eq3A_122 = arith.cmpi eq, %iota3A, %eq3A_121 : vector<196x196xi32>
    %convert_element_type3A_123 = arith.extui %eq3A_122 : vector<196x196xi1> to vector<196x196xi32>
    %convert_element_type3A_124 = arith.sitofp %convert_element_type3A_123 : vector<196x196xi32> to vector<196x196xf32>
    %convert_element_type3A_125 = arith.truncf %convert_element_type3A_124 : vector<196x196xf32> to vector<196x196xbf16>
    %dot_general3A_126 = arith.constant dense<0.000000e+00> : vector<196x192xf32>
    %dot_general3A_127 = tpu.matmul %convert_element_type3A_125, %convert_element_type3A, %dot_general3A_126 {dimension_numbers = #tpu.dot_dimension_numbers<[0], [0], [1], [1], [0, 1, 1, 1], [], []>, transpose_lhs_hint = false} : vector<196x196xbf16>, vector<196x192xbf16>, vector<196x192xf32> -> vector<196x192xf32>
    %max3A_128 = arith.maximumf %max3A_115, %dot_general3A_127 : vector<196x192xf32>
    %sub3A_129 = arith.subf %max3A_128, %slice3A : vector<196x192xf32>
    %convert_element_type3A_130 = arith.truncf %sub3A_129 : vector<196x192xf32> to vector<196x192xbf16>
    %get3A_131 = arith.constant 0 : index
    %get3A_132 = arith.constant 0 : index
    %get3A_133 = vector.load %arg4[%get3A_131, %get3A_132] : memref<192x192xbf16, #tpu.memory_space<vmem>>, vector<192x192xbf16>
    %dot_general3A_134 = arith.constant dense<0.000000e+00> : vector<196x192xf32>
    %dot_general3A_135 = tpu.matmul %convert_element_type3A, %get3A_133, %dot_general3A_134 {dimension_numbers = #tpu.dot_dimension_numbers<[1], [0], [0], [1], [0, 0, 1, 1], [], []>, transpose_lhs_hint = false} : vector<196x192xbf16>, vector<192x192xbf16>, vector<196x192xf32> -> vector<196x192xf32>
    %get3A_136 = arith.constant 0 : index
    %get3A_137 = arith.constant 0 : index
    %get3A_138 = vector.load %arg5[%get3A_136, %get3A_137] : memref<192x192xbf16, #tpu.memory_space<vmem>>, vector<192x192xbf16>
    %dot_general3A_139 = arith.constant dense<0.000000e+00> : vector<196x192xf32>
    %dot_general3A_140 = tpu.matmul %convert_element_type3A_130, %get3A_138, %dot_general3A_139 {dimension_numbers = #tpu.dot_dimension_numbers<[1], [0], [0], [1], [0, 0, 1, 1], [], []>, transpose_lhs_hint = false} : vector<196x192xbf16>, vector<192x192xbf16>, vector<196x192xf32> -> vector<196x192xf32>
    %add3A_141 = arith.addf %dot_general3A_135, %dot_general3A_140 : vector<196x192xf32>
    %get3A_142 = arith.constant 0 : index
    %get3A_143 = arith.constant 0 : index
    %get3A_144 = vector.load %arg6[%get3A_142, %get3A_143] : memref<1x192xf32, #tpu.memory_space<vmem>>, vector<1x192xf32>
    %add3A_145 = vector.broadcast %get3A_144 : vector<1x192xf32> to vector<196x192xf32>
    %add3A_146 = arith.addf %add3A_141, %add3A_145 : vector<196x192xf32>
    %add3A_147 = arith.addf %slice3A, %add3A_146 : vector<196x192xf32>
    %convert_element_type3A_148 = arith.truncf %add3A_147 : vector<196x192xf32> to vector<196x192xbf16>
    %get3A_149 = arith.constant 0 : index
    %get3A_150 = arith.constant 0 : index
    %get3A_151 = vector.load %arg7[%get3A_149, %get3A_150] : memref<192x768xbf16, #tpu.memory_space<vmem>>, vector<192x768xbf16>
    %dot_general3A_152 = arith.constant dense<0.000000e+00> : vector<196x768xf32>
    %dot_general3A_153 = tpu.matmul %convert_element_type3A_148, %get3A_151, %dot_general3A_152 {dimension_numbers = #tpu.dot_dimension_numbers<[1], [0], [0], [1], [0, 0, 1, 1], [], []>, transpose_lhs_hint = false} : vector<196x192xbf16>, vector<192x768xbf16>, vector<196x768xf32> -> vector<196x768xf32>
    %get3A_154 = arith.constant 0 : index
    %get3A_155 = arith.constant 0 : index
    %get3A_156 = vector.load %arg8[%get3A_154, %get3A_155] : memref<1x768xf32, #tpu.memory_space<vmem>>, vector<1x768xf32>
    %add3A_157 = vector.broadcast %get3A_156 : vector<1x768xf32> to vector<196x768xf32>
    %add3A_158 = arith.addf %dot_general3A_153, %add3A_157 : vector<196x768xf32>
    %integer_pow3A = arith.mulf %add3A_158, %add3A_158 : vector<196x768xf32>
    %integer_pow3A_159 = arith.mulf %add3A_158, %integer_pow3A : vector<196x768xf32>
    %mul3A_160 = arith.constant 4.471500e-02 : f32
    %mul3A_161 = vector.broadcast %mul3A_160 : f32 to vector<196x768xf32>
    %mul3A_162 = arith.mulf %mul3A_161, %integer_pow3A_159 : vector<196x768xf32>
    %add3A_163 = arith.addf %add3A_158, %mul3A_162 : vector<196x768xf32>
    %mul3A_164 = arith.constant 0.797884583 : f32
    %mul3A_165 = vector.broadcast %mul3A_164 : f32 to vector<196x768xf32>
    %mul3A_166 = arith.mulf %mul3A_165, %add3A_163 : vector<196x768xf32>
    %tanh3A = math.tanh %mul3A_166 : vector<196x768xf32>
    %add3A_167 = arith.constant 1.000000e+00 : f32
    %add3A_168 = vector.broadcast %add3A_167 : f32 to vector<196x768xf32>
    %add3A_169 = arith.addf %add3A_168, %tanh3A : vector<196x768xf32>
    %mul3A_170 = arith.constant 5.000000e-01 : f32
    %mul3A_171 = vector.broadcast %mul3A_170 : f32 to vector<196x768xf32>
    %mul3A_172 = arith.mulf %mul3A_171, %add3A_169 : vector<196x768xf32>
    %mul3A_173 = arith.mulf %add3A_158, %mul3A_172 : vector<196x768xf32>
    %convert_element_type3A_174 = arith.truncf %mul3A_173 : vector<196x768xf32> to vector<196x768xbf16>
    %get3A_175 = arith.constant 0 : index
    %get3A_176 = arith.constant 0 : index
    %get3A_177 = vector.load %arg9[%get3A_175, %get3A_176] : memref<768x192xbf16, #tpu.memory_space<vmem>>, vector<768x192xbf16>
    %dot_general3A_178 = arith.constant dense<0.000000e+00> : vector<196x192xf32>
    %dot_general3A_179 = tpu.matmul %convert_element_type3A_174, %get3A_177, %dot_general3A_178 {dimension_numbers = #tpu.dot_dimension_numbers<[1], [0], [0], [1], [0, 0, 1, 1], [], []>, transpose_lhs_hint = false} : vector<196x768xbf16>, vector<768x192xbf16>, vector<196x192xf32> -> vector<196x192xf32>
    %get3A_180 = arith.constant 0 : index
    %get3A_181 = arith.constant 0 : index
    %get3A_182 = vector.load %arg10[%get3A_180, %get3A_181] : memref<1x192xf32, #tpu.memory_space<vmem>>, vector<1x192xf32>
    %add3A_183 = vector.broadcast %get3A_182 : vector<1x192xf32> to vector<196x192xf32>
    %add3A_184 = arith.addf %dot_general3A_179, %add3A_183 : vector<196x192xf32>
    %add3A_185 = arith.addf %add3A_147, %add3A_184 : vector<196x192xf32>
    %reduce_sum3A_186 = arith.constant dense<0.000000e+00> : vector<192xf32>
    %reduce_sum3A_187 = vector.multi_reduction <add>, %add3A_185, %reduce_sum3A_186 [0] : vector<196x192xf32> to vector<192xf32>
    %broadcast_in_dim3A_188 = vector.shape_cast %reduce_sum3A_187 : vector<192xf32> to vector<1x192xf32>
    %div3A = arith.constant 1.960000e+02 : f32
    %div3A_189 = vector.broadcast %div3A : f32 to vector<1x192xf32>
    %div3A_190 = arith.divf %broadcast_in_dim3A_188, %div3A_189 : vector<1x192xf32>
    %slice3A_191 = vector.extract_strided_slice %add3A_10 {offsets = [196, 0], sizes = [196, 192], strides = [1, 1]} : vector<392x192xf32> to vector<196x192xf32>
    %convert_element_type3A_192 = arith.truncf %slice3A_191 : vector<196x192xf32> to vector<196x192xbf16>
    %mul3A_193 = arith.mulf %slice3A_191, %slice3A_191 : vector<196x192xf32>
    %reduce_sum3A_194 = arith.constant dense<0.000000e+00> : vector<196xf32>
    %reduce_sum3A_195 = vector.multi_reduction <add>, %mul3A_193, %reduce_sum3A_194 [1] : vector<196x192xf32> to vector<196xf32>
    %broadcast_in_dim3A_196 = vector.shape_cast %reduce_sum3A_195 : vector<196xf32> to vector<196x1xf32>
    %transpose3A_197 = tpu.transpose %slice3A_191, [1, 0] : vector<196x192xf32> -> vector<192x196xf32>
    %dot_general3A_198 = arith.constant dense<0.000000e+00> : vector<196x196xf32>
    %dot_general3A_199 = tpu.matmul %slice3A_191, %transpose3A_197, %dot_general3A_198 {dimension_numbers = #tpu.dot_dimension_numbers<[1], [0], [0], [1], [0, 0, 1, 1], [], []>, transpose_lhs_hint = false} : vector<196x192xf32>, vector<192x196xf32>, vector<196x196xf32> -> vector<196x196xf32>
    %mul3A_200 = arith.constant 2.000000e+00 : f32
    %mul3A_201 = vector.broadcast %mul3A_200 : f32 to vector<196x196xf32>
    %mul3A_202 = arith.mulf %mul3A_201, %dot_general3A_199 : vector<196x196xf32>
    %sub3A_203 = vector.broadcast %broadcast_in_dim3A_196 : vector<196x1xf32> to vector<196x196xf32>
    %sub3A_204 = arith.subf %sub3A_203, %mul3A_202 : vector<196x196xf32>
    %broadcast_in_dim3A_205 = arith.constant 0xFF800000 : f32
    %broadcast_in_dim3A_206 = vector.broadcast %broadcast_in_dim3A_205 : f32 to vector<196x192xf32>
    %argmin3A_207 = tpu.reduce_index %sub3A_204 {axis = 0 : i32, kind = #tpu.reduction_kind<arg_min>} : vector<196x196xf32> -> vector<196xi32>
    %broadcast_in_dim3A_208 = vector.shape_cast %argmin3A_207 : vector<196xi32> to vector<1x196xi32>
    %eq3A_209 = vector.broadcast %broadcast_in_dim3A_208 : vector<1x196xi32> to vector<196x196xi32>
    %eq3A_210 = arith.cmpi eq, %iota3A, %eq3A_209 : vector<196x196xi32>
    %convert_element_type3A_211 = arith.extui %eq3A_210 : vector<196x196xi1> to vector<196x196xi32>
    %convert_element_type3A_212 = arith.sitofp %convert_element_type3A_211 : vector<196x196xi32> to vector<196x196xf32>
    %convert_element_type3A_213 = arith.truncf %convert_element_type3A_212 : vector<196x196xf32> to vector<196x196xbf16>
    %dot_general3A_214 = arith.constant dense<0.000000e+00> : vector<196x192xf32>
    %dot_general3A_215 = tpu.matmul %convert_element_type3A_213, %convert_element_type3A_192, %dot_general3A_214 {dimension_numbers = #tpu.dot_dimension_numbers<[0], [0], [1], [1], [0, 1, 1, 1], [], []>, transpose_lhs_hint = false} : vector<196x196xbf16>, vector<196x192xbf16>, vector<196x192xf32> -> vector<196x192xf32>
    %max3A_216 = arith.maximumf %broadcast_in_dim3A_206, %dot_general3A_215 : vector<196x192xf32>
    %jit3A_217 = arith.constant 0x7F800000 : f32
    %broadcast_in_dim3A_218 = vector.broadcast %jit3A_217 : f32 to vector<196x196xf32>
    %select_n3A_219 = arith.select %eq3A_210, %broadcast_in_dim3A_218, %sub3A_204 : vector<196x196xi1>, vector<196x196xf32>
    %argmin3A_220 = tpu.reduce_index %select_n3A_219 {axis = 0 : i32, kind = #tpu.reduction_kind<arg_min>} : vector<196x196xf32> -> vector<196xi32>
    %broadcast_in_dim3A_221 = vector.shape_cast %argmin3A_220 : vector<196xi32> to vector<1x196xi32>
    %eq3A_222 = vector.broadcast %broadcast_in_dim3A_221 : vector<1x196xi32> to vector<196x196xi32>
    %eq3A_223 = arith.cmpi eq, %iota3A, %eq3A_222 : vector<196x196xi32>
    %convert_element_type3A_224 = arith.extui %eq3A_223 : vector<196x196xi1> to vector<196x196xi32>
    %convert_element_type3A_225 = arith.sitofp %convert_element_type3A_224 : vector<196x196xi32> to vector<196x196xf32>
    %convert_element_type3A_226 = arith.truncf %convert_element_type3A_225 : vector<196x196xf32> to vector<196x196xbf16>
    %dot_general3A_227 = arith.constant dense<0.000000e+00> : vector<196x192xf32>
    %dot_general3A_228 = tpu.matmul %convert_element_type3A_226, %convert_element_type3A_192, %dot_general3A_227 {dimension_numbers = #tpu.dot_dimension_numbers<[0], [0], [1], [1], [0, 1, 1, 1], [], []>, transpose_lhs_hint = false} : vector<196x196xbf16>, vector<196x192xbf16>, vector<196x192xf32> -> vector<196x192xf32>
    %max3A_229 = arith.maximumf %max3A_216, %dot_general3A_228 : vector<196x192xf32>
    %jit3A_230 = arith.constant 0x7F800000 : f32
    %broadcast_in_dim3A_231 = vector.broadcast %jit3A_230 : f32 to vector<196x196xf32>
    %select_n3A_232 = arith.select %eq3A_223, %broadcast_in_dim3A_231, %select_n3A_219 : vector<196x196xi1>, vector<196x196xf32>
    %argmin3A_233 = tpu.reduce_index %select_n3A_232 {axis = 0 : i32, kind = #tpu.reduction_kind<arg_min>} : vector<196x196xf32> -> vector<196xi32>
    %broadcast_in_dim3A_234 = vector.shape_cast %argmin3A_233 : vector<196xi32> to vector<1x196xi32>
    %eq3A_235 = vector.broadcast %broadcast_in_dim3A_234 : vector<1x196xi32> to vector<196x196xi32>
    %eq3A_236 = arith.cmpi eq, %iota3A, %eq3A_235 : vector<196x196xi32>
    %convert_element_type3A_237 = arith.extui %eq3A_236 : vector<196x196xi1> to vector<196x196xi32>
    %convert_element_type3A_238 = arith.sitofp %convert_element_type3A_237 : vector<196x196xi32> to vector<196x196xf32>
    %convert_element_type3A_239 = arith.truncf %convert_element_type3A_238 : vector<196x196xf32> to vector<196x196xbf16>
    %dot_general3A_240 = arith.constant dense<0.000000e+00> : vector<196x192xf32>
    %dot_general3A_241 = tpu.matmul %convert_element_type3A_239, %convert_element_type3A_192, %dot_general3A_240 {dimension_numbers = #tpu.dot_dimension_numbers<[0], [0], [1], [1], [0, 1, 1, 1], [], []>, transpose_lhs_hint = false} : vector<196x196xbf16>, vector<196x192xbf16>, vector<196x192xf32> -> vector<196x192xf32>
    %max3A_242 = arith.maximumf %max3A_229, %dot_general3A_241 : vector<196x192xf32>
    %jit3A_243 = arith.constant 0x7F800000 : f32
    %broadcast_in_dim3A_244 = vector.broadcast %jit3A_243 : f32 to vector<196x196xf32>
    %select_n3A_245 = arith.select %eq3A_236, %broadcast_in_dim3A_244, %select_n3A_232 : vector<196x196xi1>, vector<196x196xf32>
    %argmin3A_246 = tpu.reduce_index %select_n3A_245 {axis = 0 : i32, kind = #tpu.reduction_kind<arg_min>} : vector<196x196xf32> -> vector<196xi32>
    %broadcast_in_dim3A_247 = vector.shape_cast %argmin3A_246 : vector<196xi32> to vector<1x196xi32>
    %eq3A_248 = vector.broadcast %broadcast_in_dim3A_247 : vector<1x196xi32> to vector<196x196xi32>
    %eq3A_249 = arith.cmpi eq, %iota3A, %eq3A_248 : vector<196x196xi32>
    %convert_element_type3A_250 = arith.extui %eq3A_249 : vector<196x196xi1> to vector<196x196xi32>
    %convert_element_type3A_251 = arith.sitofp %convert_element_type3A_250 : vector<196x196xi32> to vector<196x196xf32>
    %convert_element_type3A_252 = arith.truncf %convert_element_type3A_251 : vector<196x196xf32> to vector<196x196xbf16>
    %dot_general3A_253 = arith.constant dense<0.000000e+00> : vector<196x192xf32>
    %dot_general3A_254 = tpu.matmul %convert_element_type3A_252, %convert_element_type3A_192, %dot_general3A_253 {dimension_numbers = #tpu.dot_dimension_numbers<[0], [0], [1], [1], [0, 1, 1, 1], [], []>, transpose_lhs_hint = false} : vector<196x196xbf16>, vector<196x192xbf16>, vector<196x192xf32> -> vector<196x192xf32>
    %max3A_255 = arith.maximumf %max3A_242, %dot_general3A_254 : vector<196x192xf32>
    %jit3A_256 = arith.constant 0x7F800000 : f32
    %broadcast_in_dim3A_257 = vector.broadcast %jit3A_256 : f32 to vector<196x196xf32>
    %select_n3A_258 = arith.select %eq3A_249, %broadcast_in_dim3A_257, %select_n3A_245 : vector<196x196xi1>, vector<196x196xf32>
    %argmin3A_259 = tpu.reduce_index %select_n3A_258 {axis = 0 : i32, kind = #tpu.reduction_kind<arg_min>} : vector<196x196xf32> -> vector<196xi32>
    %broadcast_in_dim3A_260 = vector.shape_cast %argmin3A_259 : vector<196xi32> to vector<1x196xi32>
    %eq3A_261 = vector.broadcast %broadcast_in_dim3A_260 : vector<1x196xi32> to vector<196x196xi32>
    %eq3A_262 = arith.cmpi eq, %iota3A, %eq3A_261 : vector<196x196xi32>
    %convert_element_type3A_263 = arith.extui %eq3A_262 : vector<196x196xi1> to vector<196x196xi32>
    %convert_element_type3A_264 = arith.sitofp %convert_element_type3A_263 : vector<196x196xi32> to vector<196x196xf32>
    %convert_element_type3A_265 = arith.truncf %convert_element_type3A_264 : vector<196x196xf32> to vector<196x196xbf16>
    %dot_general3A_266 = arith.constant dense<0.000000e+00> : vector<196x192xf32>
    %dot_general3A_267 = tpu.matmul %convert_element_type3A_265, %convert_element_type3A_192, %dot_general3A_266 {dimension_numbers = #tpu.dot_dimension_numbers<[0], [0], [1], [1], [0, 1, 1, 1], [], []>, transpose_lhs_hint = false} : vector<196x196xbf16>, vector<196x192xbf16>, vector<196x192xf32> -> vector<196x192xf32>
    %max3A_268 = arith.maximumf %max3A_255, %dot_general3A_267 : vector<196x192xf32>
    %jit3A_269 = arith.constant 0x7F800000 : f32
    %broadcast_in_dim3A_270 = vector.broadcast %jit3A_269 : f32 to vector<196x196xf32>
    %select_n3A_271 = arith.select %eq3A_262, %broadcast_in_dim3A_270, %select_n3A_258 : vector<196x196xi1>, vector<196x196xf32>
    %argmin3A_272 = tpu.reduce_index %select_n3A_271 {axis = 0 : i32, kind = #tpu.reduction_kind<arg_min>} : vector<196x196xf32> -> vector<196xi32>
    %broadcast_in_dim3A_273 = vector.shape_cast %argmin3A_272 : vector<196xi32> to vector<1x196xi32>
    %eq3A_274 = vector.broadcast %broadcast_in_dim3A_273 : vector<1x196xi32> to vector<196x196xi32>
    %eq3A_275 = arith.cmpi eq, %iota3A, %eq3A_274 : vector<196x196xi32>
    %convert_element_type3A_276 = arith.extui %eq3A_275 : vector<196x196xi1> to vector<196x196xi32>
    %convert_element_type3A_277 = arith.sitofp %convert_element_type3A_276 : vector<196x196xi32> to vector<196x196xf32>
    %convert_element_type3A_278 = arith.truncf %convert_element_type3A_277 : vector<196x196xf32> to vector<196x196xbf16>
    %dot_general3A_279 = arith.constant dense<0.000000e+00> : vector<196x192xf32>
    %dot_general3A_280 = tpu.matmul %convert_element_type3A_278, %convert_element_type3A_192, %dot_general3A_279 {dimension_numbers = #tpu.dot_dimension_numbers<[0], [0], [1], [1], [0, 1, 1, 1], [], []>, transpose_lhs_hint = false} : vector<196x196xbf16>, vector<196x192xbf16>, vector<196x192xf32> -> vector<196x192xf32>
    %max3A_281 = arith.maximumf %max3A_268, %dot_general3A_280 : vector<196x192xf32>
    %jit3A_282 = arith.constant 0x7F800000 : f32
    %broadcast_in_dim3A_283 = vector.broadcast %jit3A_282 : f32 to vector<196x196xf32>
    %select_n3A_284 = arith.select %eq3A_275, %broadcast_in_dim3A_283, %select_n3A_271 : vector<196x196xi1>, vector<196x196xf32>
    %argmin3A_285 = tpu.reduce_index %select_n3A_284 {axis = 0 : i32, kind = #tpu.reduction_kind<arg_min>} : vector<196x196xf32> -> vector<196xi32>
    %broadcast_in_dim3A_286 = vector.shape_cast %argmin3A_285 : vector<196xi32> to vector<1x196xi32>
    %eq3A_287 = vector.broadcast %broadcast_in_dim3A_286 : vector<1x196xi32> to vector<196x196xi32>
    %eq3A_288 = arith.cmpi eq, %iota3A, %eq3A_287 : vector<196x196xi32>
    %convert_element_type3A_289 = arith.extui %eq3A_288 : vector<196x196xi1> to vector<196x196xi32>
    %convert_element_type3A_290 = arith.sitofp %convert_element_type3A_289 : vector<196x196xi32> to vector<196x196xf32>
    %convert_element_type3A_291 = arith.truncf %convert_element_type3A_290 : vector<196x196xf32> to vector<196x196xbf16>
    %dot_general3A_292 = arith.constant dense<0.000000e+00> : vector<196x192xf32>
    %dot_general3A_293 = tpu.matmul %convert_element_type3A_291, %convert_element_type3A_192, %dot_general3A_292 {dimension_numbers = #tpu.dot_dimension_numbers<[0], [0], [1], [1], [0, 1, 1, 1], [], []>, transpose_lhs_hint = false} : vector<196x196xbf16>, vector<196x192xbf16>, vector<196x192xf32> -> vector<196x192xf32>
    %max3A_294 = arith.maximumf %max3A_281, %dot_general3A_293 : vector<196x192xf32>
    %jit3A_295 = arith.constant 0x7F800000 : f32
    %broadcast_in_dim3A_296 = vector.broadcast %jit3A_295 : f32 to vector<196x196xf32>
    %select_n3A_297 = arith.select %eq3A_288, %broadcast_in_dim3A_296, %select_n3A_284 : vector<196x196xi1>, vector<196x196xf32>
    %argmin3A_298 = tpu.reduce_index %select_n3A_297 {axis = 0 : i32, kind = #tpu.reduction_kind<arg_min>} : vector<196x196xf32> -> vector<196xi32>
    %broadcast_in_dim3A_299 = vector.shape_cast %argmin3A_298 : vector<196xi32> to vector<1x196xi32>
    %eq3A_300 = vector.broadcast %broadcast_in_dim3A_299 : vector<1x196xi32> to vector<196x196xi32>
    %eq3A_301 = arith.cmpi eq, %iota3A, %eq3A_300 : vector<196x196xi32>
    %convert_element_type3A_302 = arith.extui %eq3A_301 : vector<196x196xi1> to vector<196x196xi32>
    %convert_element_type3A_303 = arith.sitofp %convert_element_type3A_302 : vector<196x196xi32> to vector<196x196xf32>
    %convert_element_type3A_304 = arith.truncf %convert_element_type3A_303 : vector<196x196xf32> to vector<196x196xbf16>
    %dot_general3A_305 = arith.constant dense<0.000000e+00> : vector<196x192xf32>
    %dot_general3A_306 = tpu.matmul %convert_element_type3A_304, %convert_element_type3A_192, %dot_general3A_305 {dimension_numbers = #tpu.dot_dimension_numbers<[0], [0], [1], [1], [0, 1, 1, 1], [], []>, transpose_lhs_hint = false} : vector<196x196xbf16>, vector<196x192xbf16>, vector<196x192xf32> -> vector<196x192xf32>
    %max3A_307 = arith.maximumf %max3A_294, %dot_general3A_306 : vector<196x192xf32>
    %jit3A_308 = arith.constant 0x7F800000 : f32
    %broadcast_in_dim3A_309 = vector.broadcast %jit3A_308 : f32 to vector<196x196xf32>
    %select_n3A_310 = arith.select %eq3A_301, %broadcast_in_dim3A_309, %select_n3A_297 : vector<196x196xi1>, vector<196x196xf32>
    %argmin3A_311 = tpu.reduce_index %select_n3A_310 {axis = 0 : i32, kind = #tpu.reduction_kind<arg_min>} : vector<196x196xf32> -> vector<196xi32>
    %broadcast_in_dim3A_312 = vector.shape_cast %argmin3A_311 : vector<196xi32> to vector<1x196xi32>
    %eq3A_313 = vector.broadcast %broadcast_in_dim3A_312 : vector<1x196xi32> to vector<196x196xi32>
    %eq3A_314 = arith.cmpi eq, %iota3A, %eq3A_313 : vector<196x196xi32>
    %convert_element_type3A_315 = arith.extui %eq3A_314 : vector<196x196xi1> to vector<196x196xi32>
    %convert_element_type3A_316 = arith.sitofp %convert_element_type3A_315 : vector<196x196xi32> to vector<196x196xf32>
    %convert_element_type3A_317 = arith.truncf %convert_element_type3A_316 : vector<196x196xf32> to vector<196x196xbf16>
    %dot_general3A_318 = arith.constant dense<0.000000e+00> : vector<196x192xf32>
    %dot_general3A_319 = tpu.matmul %convert_element_type3A_317, %convert_element_type3A_192, %dot_general3A_318 {dimension_numbers = #tpu.dot_dimension_numbers<[0], [0], [1], [1], [0, 1, 1, 1], [], []>, transpose_lhs_hint = false} : vector<196x196xbf16>, vector<196x192xbf16>, vector<196x192xf32> -> vector<196x192xf32>
    %max3A_320 = arith.maximumf %max3A_307, %dot_general3A_319 : vector<196x192xf32>
    %sub3A_321 = arith.subf %max3A_320, %slice3A_191 : vector<196x192xf32>
    %convert_element_type3A_322 = arith.truncf %sub3A_321 : vector<196x192xf32> to vector<196x192xbf16>
    %get3A_323 = arith.constant 0 : index
    %get3A_324 = arith.constant 0 : index
    %get3A_325 = vector.load %arg4[%get3A_323, %get3A_324] : memref<192x192xbf16, #tpu.memory_space<vmem>>, vector<192x192xbf16>
    %dot_general3A_326 = arith.constant dense<0.000000e+00> : vector<196x192xf32>
    %dot_general3A_327 = tpu.matmul %convert_element_type3A_192, %get3A_325, %dot_general3A_326 {dimension_numbers = #tpu.dot_dimension_numbers<[1], [0], [0], [1], [0, 0, 1, 1], [], []>, transpose_lhs_hint = false} : vector<196x192xbf16>, vector<192x192xbf16>, vector<196x192xf32> -> vector<196x192xf32>
    %get3A_328 = arith.constant 0 : index
    %get3A_329 = arith.constant 0 : index
    %get3A_330 = vector.load %arg5[%get3A_328, %get3A_329] : memref<192x192xbf16, #tpu.memory_space<vmem>>, vector<192x192xbf16>
    %dot_general3A_331 = arith.constant dense<0.000000e+00> : vector<196x192xf32>
    %dot_general3A_332 = tpu.matmul %convert_element_type3A_322, %get3A_330, %dot_general3A_331 {dimension_numbers = #tpu.dot_dimension_numbers<[1], [0], [0], [1], [0, 0, 1, 1], [], []>, transpose_lhs_hint = false} : vector<196x192xbf16>, vector<192x192xbf16>, vector<196x192xf32> -> vector<196x192xf32>
    %add3A_333 = arith.addf %dot_general3A_327, %dot_general3A_332 : vector<196x192xf32>
    %get3A_334 = arith.constant 0 : index
    %get3A_335 = arith.constant 0 : index
    %get3A_336 = vector.load %arg6[%get3A_334, %get3A_335] : memref<1x192xf32, #tpu.memory_space<vmem>>, vector<1x192xf32>
    %add3A_337 = vector.broadcast %get3A_336 : vector<1x192xf32> to vector<196x192xf32>
    %add3A_338 = arith.addf %add3A_333, %add3A_337 : vector<196x192xf32>
    %add3A_339 = arith.addf %slice3A_191, %add3A_338 : vector<196x192xf32>
    %convert_element_type3A_340 = arith.truncf %add3A_339 : vector<196x192xf32> to vector<196x192xbf16>
    %get3A_341 = arith.constant 0 : index
    %get3A_342 = arith.constant 0 : index
    %get3A_343 = vector.load %arg7[%get3A_341, %get3A_342] : memref<192x768xbf16, #tpu.memory_space<vmem>>, vector<192x768xbf16>
    %dot_general3A_344 = arith.constant dense<0.000000e+00> : vector<196x768xf32>
    %dot_general3A_345 = tpu.matmul %convert_element_type3A_340, %get3A_343, %dot_general3A_344 {dimension_numbers = #tpu.dot_dimension_numbers<[1], [0], [0], [1], [0, 0, 1, 1], [], []>, transpose_lhs_hint = false} : vector<196x192xbf16>, vector<192x768xbf16>, vector<196x768xf32> -> vector<196x768xf32>
    %get3A_346 = arith.constant 0 : index
    %get3A_347 = arith.constant 0 : index
    %get3A_348 = vector.load %arg8[%get3A_346, %get3A_347] : memref<1x768xf32, #tpu.memory_space<vmem>>, vector<1x768xf32>
    %add3A_349 = vector.broadcast %get3A_348 : vector<1x768xf32> to vector<196x768xf32>
    %add3A_350 = arith.addf %dot_general3A_345, %add3A_349 : vector<196x768xf32>
    %integer_pow3A_351 = arith.mulf %add3A_350, %add3A_350 : vector<196x768xf32>
    %integer_pow3A_352 = arith.mulf %add3A_350, %integer_pow3A_351 : vector<196x768xf32>
    %mul3A_353 = arith.constant 4.471500e-02 : f32
    %mul3A_354 = vector.broadcast %mul3A_353 : f32 to vector<196x768xf32>
    %mul3A_355 = arith.mulf %mul3A_354, %integer_pow3A_352 : vector<196x768xf32>
    %add3A_356 = arith.addf %add3A_350, %mul3A_355 : vector<196x768xf32>
    %mul3A_357 = arith.constant 0.797884583 : f32
    %mul3A_358 = vector.broadcast %mul3A_357 : f32 to vector<196x768xf32>
    %mul3A_359 = arith.mulf %mul3A_358, %add3A_356 : vector<196x768xf32>
    %tanh3A_360 = math.tanh %mul3A_359 : vector<196x768xf32>
    %add3A_361 = arith.constant 1.000000e+00 : f32
    %add3A_362 = vector.broadcast %add3A_361 : f32 to vector<196x768xf32>
    %add3A_363 = arith.addf %add3A_362, %tanh3A_360 : vector<196x768xf32>
    %mul3A_364 = arith.constant 5.000000e-01 : f32
    %mul3A_365 = vector.broadcast %mul3A_364 : f32 to vector<196x768xf32>
    %mul3A_366 = arith.mulf %mul3A_365, %add3A_363 : vector<196x768xf32>
    %mul3A_367 = arith.mulf %add3A_350, %mul3A_366 : vector<196x768xf32>
    %convert_element_type3A_368 = arith.truncf %mul3A_367 : vector<196x768xf32> to vector<196x768xbf16>
    %get3A_369 = arith.constant 0 : index
    %get3A_370 = arith.constant 0 : index
    %get3A_371 = vector.load %arg9[%get3A_369, %get3A_370] : memref<768x192xbf16, #tpu.memory_space<vmem>>, vector<768x192xbf16>
    %dot_general3A_372 = arith.constant dense<0.000000e+00> : vector<196x192xf32>
    %dot_general3A_373 = tpu.matmul %convert_element_type3A_368, %get3A_371, %dot_general3A_372 {dimension_numbers = #tpu.dot_dimension_numbers<[1], [0], [0], [1], [0, 0, 1, 1], [], []>, transpose_lhs_hint = false} : vector<196x768xbf16>, vector<768x192xbf16>, vector<196x192xf32> -> vector<196x192xf32>
    %get3A_374 = arith.constant 0 : index
    %get3A_375 = arith.constant 0 : index
    %get3A_376 = vector.load %arg10[%get3A_374, %get3A_375] : memref<1x192xf32, #tpu.memory_space<vmem>>, vector<1x192xf32>
    %add3A_377 = vector.broadcast %get3A_376 : vector<1x192xf32> to vector<196x192xf32>
    %add3A_378 = arith.addf %dot_general3A_373, %add3A_377 : vector<196x192xf32>
    %add3A_379 = arith.addf %add3A_339, %add3A_378 : vector<196x192xf32>
    %reduce_sum3A_380 = arith.constant dense<0.000000e+00> : vector<192xf32>
    %reduce_sum3A_381 = vector.multi_reduction <add>, %add3A_379, %reduce_sum3A_380 [0] : vector<196x192xf32> to vector<192xf32>
    %broadcast_in_dim3A_382 = vector.shape_cast %reduce_sum3A_381 : vector<192xf32> to vector<1x192xf32>
    %div3A_383 = arith.constant 1.960000e+02 : f32
    %div3A_384 = vector.broadcast %div3A_383 : f32 to vector<1x192xf32>
    %div3A_385 = arith.divf %broadcast_in_dim3A_382, %div3A_384 : vector<1x192xf32>
    %concatenate3A = tpu.concatenate %div3A_190, %div3A_385 in 0 : vector<1x192xf32>, vector<1x192xf32> -> vector<2x192xf32>
    %broadcast_in_dim3A_386 = vector.shape_cast %concatenate3A : vector<2x192xf32> to vector<1x2x192xf32>
    %swap3A = arith.constant 0 : index
    %swap3A_387 = arith.constant 0 : index
    %swap3A_388 = arith.constant 0 : index
    %swap3A_389 = vector.load %arg11[%swap3A, %swap3A_387, %swap3A_388] : memref<1x2x192xf32, #tpu.memory_space<vmem>>, vector<1x2x192xf32>
    tpu.vector_store %arg11[%swap3A, %swap3A_387, %swap3A_388], %broadcast_in_dim3A_386 {strides = array<i32>} : memref<1x2x192xf32, #tpu.memory_space<vmem>>, vector<1x2x192xf32>,
    return
  }
  func.func @transform_0(%arg0: i32) -> (i32, i32, i32) {
    %c0_i32 = arith.constant 0 : i32
    %c0_i32_0 = arith.constant 0 : i32
    %c0_i32_1 = arith.constant 0 : i32
    return %arg0, %c0_i32, %c0_i32_0 : i32, i32, i32
  }
  func.func @transform_1(%arg0: i32) -> (i32, i32) {
    %c0_i32 = arith.constant 0 : i32
    %c0_i32_0 = arith.constant 0 : i32
    %c0_i32_1 = arith.constant 0 : i32
    return %c0_i32, %c0_i32_0 : i32, i32
  }
  func.func @transform_2(%arg0: i32) -> (i32, i32) {
    %c0_i32 = arith.constant 0 : i32
    %c0_i32_0 = arith.constant 0 : i32
    %c0_i32_1 = arith.constant 0 : i32
    return %c0_i32, %c0_i32_0 : i32, i32
  }
  func.func @transform_3(%arg0: i32) -> (i32, i32) {
    %c0_i32 = arith.constant 0 : i32
    %c0_i32_0 = arith.constant 0 : i32
    %c0_i32_1 = arith.constant 0 : i32
    return %c0_i32, %c0_i32_0 : i32, i32
  }
  func.func @transform_4(%arg0: i32) -> (i32, i32) {
    %c0_i32 = arith.constant 0 : i32
    %c0_i32_0 = arith.constant 0 : i32
    %c0_i32_1 = arith.constant 0 : i32
    return %c0_i32, %c0_i32_0 : i32, i32
  }
  func.func @transform_5(%arg0: i32) -> (i32, i32) {
    %c0_i32 = arith.constant 0 : i32
    %c0_i32_0 = arith.constant 0 : i32
    %c0_i32_1 = arith.constant 0 : i32
    return %c0_i32, %c0_i32_0 : i32, i32
  }
  func.func @transform_6(%arg0: i32) -> (i32, i32) {
    %c0_i32 = arith.constant 0 : i32
    %c0_i32_0 = arith.constant 0 : i32
    %c0_i32_1 = arith.constant 0 : i32
    return %c0_i32, %c0_i32_0 : i32, i32
  }
  func.func @transform_7(%arg0: i32) -> (i32, i32) {
    %c0_i32 = arith.constant 0 : i32
    %c0_i32_0 = arith.constant 0 : i32
    %c0_i32_1 = arith.constant 0 : i32
    return %c0_i32, %c0_i32_0 : i32, i32
  }
  func.func @transform_8(%arg0: i32) -> (i32, i32) {
    %c0_i32 = arith.constant 0 : i32
    %c0_i32_0 = arith.constant 0 : i32
    %c0_i32_1 = arith.constant 0 : i32
    return %c0_i32, %c0_i32_0 : i32, i32
  }
  func.func @transform_9(%arg0: i32) -> (i32, i32) {
    %c0_i32 = arith.constant 0 : i32
    %c0_i32_0 = arith.constant 0 : i32
    %c0_i32_1 = arith.constant 0 : i32
    return %c0_i32, %c0_i32_0 : i32, i32
  }
  func.func @transform_10(%arg0: i32) -> (i32, i32, i32) {
    %c0_i32 = arith.constant 0 : i32
    %c0_i32_0 = arith.constant 0 : i32
    %c0_i32_1 = arith.constant 0 : i32
    return %arg0, %c0_i32, %c0_i32_0 : i32, i32, i32
  }
}

module attributes {stable_mosaic.version = 14 : i64} {
  func.func @_head_kernel(%arg0: memref<128x192xf32, #tpu.memory_space<vmem>>, %arg1: memref<192x1024xf32, #tpu.memory_space<vmem>>, %arg2: memref<1x1024xf32, #tpu.memory_space<vmem>>, %arg3: memref<1024x10xf32, #tpu.memory_space<vmem>>, %arg4: memref<1x10xf32, #tpu.memory_space<vmem>>, %arg5: memref<128x10xf32, #tpu.memory_space<vmem>>) attributes {dimension_semantics = [], scalar_prefetch = 0 : i64, scratch_operands = 0 : i64, tpu.core_type = #tpu.core_type<tc>} {
    %get3A = arith.constant 0 : index
    %get3A_0 = arith.constant 0 : index
    %get3A_1 = vector.load %arg0[%get3A, %get3A_0] : memref<128x192xf32, #tpu.memory_space<vmem>>, vector<128x192xf32>
    %get3A_2 = arith.constant 0 : index
    %get3A_3 = arith.constant 0 : index
    %get3A_4 = vector.load %arg1[%get3A_2, %get3A_3] : memref<192x1024xf32, #tpu.memory_space<vmem>>, vector<192x1024xf32>
    %dot_general3A = arith.constant dense<0.000000e+00> : vector<128x1024xf32>
    %dot_general3A_5 = tpu.matmul %get3A_1, %get3A_4, %dot_general3A {dimension_numbers = #tpu.dot_dimension_numbers<[1], [0], [0], [1], [0, 0, 1, 1], [], []>, transpose_lhs_hint = false} : vector<128x192xf32>, vector<192x1024xf32>, vector<128x1024xf32> -> vector<128x1024xf32>
    %get3A_6 = arith.constant 0 : index
    %get3A_7 = arith.constant 0 : index
    %get3A_8 = vector.load %arg2[%get3A_6, %get3A_7] : memref<1x1024xf32, #tpu.memory_space<vmem>>, vector<1x1024xf32>
    %add3A = vector.broadcast %get3A_8 : vector<1x1024xf32> to vector<128x1024xf32>
    %add3A_9 = arith.addf %dot_general3A_5, %add3A : vector<128x1024xf32>
    %integer_pow3A = arith.mulf %add3A_9, %add3A_9 : vector<128x1024xf32>
    %integer_pow3A_10 = arith.mulf %add3A_9, %integer_pow3A : vector<128x1024xf32>
    %mul3A = arith.constant 4.471500e-02 : f32
    %mul3A_11 = vector.broadcast %mul3A : f32 to vector<128x1024xf32>
    %mul3A_12 = arith.mulf %mul3A_11, %integer_pow3A_10 : vector<128x1024xf32>
    %add3A_13 = arith.addf %add3A_9, %mul3A_12 : vector<128x1024xf32>
    %mul3A_14 = arith.constant 0.797884583 : f32
    %mul3A_15 = vector.broadcast %mul3A_14 : f32 to vector<128x1024xf32>
    %mul3A_16 = arith.mulf %mul3A_15, %add3A_13 : vector<128x1024xf32>
    %tanh3A = math.tanh %mul3A_16 : vector<128x1024xf32>
    %add3A_17 = arith.constant 1.000000e+00 : f32
    %add3A_18 = vector.broadcast %add3A_17 : f32 to vector<128x1024xf32>
    %add3A_19 = arith.addf %add3A_18, %tanh3A : vector<128x1024xf32>
    %mul3A_20 = arith.constant 5.000000e-01 : f32
    %mul3A_21 = vector.broadcast %mul3A_20 : f32 to vector<128x1024xf32>
    %mul3A_22 = arith.mulf %mul3A_21, %add3A_19 : vector<128x1024xf32>
    %mul3A_23 = arith.mulf %add3A_9, %mul3A_22 : vector<128x1024xf32>
    %get3A_24 = arith.constant 0 : index
    %get3A_25 = arith.constant 0 : index
    %get3A_26 = vector.load %arg3[%get3A_24, %get3A_25] : memref<1024x10xf32, #tpu.memory_space<vmem>>, vector<1024x10xf32>
    %dot_general3A_27 = arith.constant dense<0.000000e+00> : vector<128x10xf32>
    %dot_general3A_28 = tpu.matmul %mul3A_23, %get3A_26, %dot_general3A_27 {dimension_numbers = #tpu.dot_dimension_numbers<[1], [0], [0], [1], [0, 0, 1, 1], [], []>, transpose_lhs_hint = false} : vector<128x1024xf32>, vector<1024x10xf32>, vector<128x10xf32> -> vector<128x10xf32>
    %get3A_29 = arith.constant 0 : index
    %get3A_30 = arith.constant 0 : index
    %get3A_31 = vector.load %arg4[%get3A_29, %get3A_30] : memref<1x10xf32, #tpu.memory_space<vmem>>, vector<1x10xf32>
    %add3A_32 = vector.broadcast %get3A_31 : vector<1x10xf32> to vector<128x10xf32>
    %add3A_33 = arith.addf %dot_general3A_28, %add3A_32 : vector<128x10xf32>
    %swap3A = arith.constant 0 : index
    %swap3A_34 = arith.constant 0 : index
    %swap3A_35 = vector.load %arg5[%swap3A, %swap3A_34] : memref<128x10xf32, #tpu.memory_space<vmem>>, vector<128x10xf32>
    tpu.vector_store %arg5[%swap3A, %swap3A_34], %add3A_33 {strides = array<i32>} : memref<128x10xf32, #tpu.memory_space<vmem>>, vector<128x10xf32>,
    return
  }
}

</mosaic_0001>

<sc_bundles>
// kernel: sparse-core-data-format-call.cloned.1.call-start
scs
called_computation_lowered:
.L_overlay_start_0:
0x0: {  	s1 =	sld [smem:$0x3FD9]  }
0x1: {  	s2 =	sld [smem:$0x3FFE];
	_ =	sdelay $0x1  }
0x2: {  	s3 =	srdreg.scid  }
0x3: {  	s0 =	sand.u32 $0x1, s3  }
0x4: {  	s17 =	sshll.u32 s0, $0xA;
	s1 =	sadd.s32 s2, s1  }
0x5: {  	s1 =	sadd.s32 s1, s17  }
0x6: {  	[smem:$0x3FBB] =	sst s1  }
0x7: {  	_ = 	snop  }
0x8: {  	(tm) =	ssettm $0x1  }
0x9: {  	s18 =	sld [smem:$0x3FFB];
	_ =	sdelay $0x3  }
0xa: {  	_ =	strace s18  }
0xb: {  	s1 =	sld [smem:$0x3FFC];
	_ =	sdelay $0x3  }
0xc: {  	_ =	strace s1  }
0xd: {  	s1 =	sld [smem:$0x3FFD];
	_ =	sdelay $0x3  }
0xe: {  	_ =	strace s1  }
0xf: {  	_ =	strace $0x8FFFFFFF  }
0x10: {  	s19 =	sld [smem:$0x3FDB];
	_ =	sdelay $0x1  }
0x11: {  	s20 =	simm.s32 $_scs_section_size  }
0x12: {  	s4 =	simm.s32 $_size__tile_overlayer_lowered;
	s5 =	simm.s32 $_tile_overlayer_lowered  }
0x13: {  	s23 =	simm.s32 $0x1BFF;
	s22 =	sshll.u32 s5, $0x1;
	s1 =	sadd.s32 s20, s19  }
0x14: {  	s6 =	simm.s32 $0x0;
	s21 =	sshll.u32 s4, $0x1;
	s4 =	sadd.s32 s22, s1  }
0x15: {  	[timem:s6], [sflag:s23] =	dma.local [hbm:s4], s21  }
0x16: {  	_ =	swait.ge [sflag:s23], s21  }
0x17: {  	s2 =	ssub.s32 $0x0, s21;
	[sflag:s23] =	ssyncset.done $0x0  }
0x18: {  	[sflag:s23] =	ssyncadd.s32 s2;
	_ =	sdelay $0x1  }
0x19: {  	s24 =	simm.s32 $0x1B8B  }
0x1a: {  	_ =	swait.ge [sflag:s24], $0x1  }
0x1b: {  	[sflag:s24] =	ssyncset.done $0x0  }
0x1c: {  	s26 =	simm.s32 $0x1B8E;
	s25 =	sld [smem:$0x3FFE];
	[sflag:s24] =	ssyncadd.s32 $0xFFFFFFFF  }
0x1d: {  	s27 =	simm.s32 $execute0_lowered;
	[smem:$0x3FD2] =	sst s26  }
0x1e: {  	s4 =	sshll.u32 s27, $0x1;
	_ =	strace $0x80000046;
	[dreg:$0x1] =	wrdreg $0xFFFFFFFF  }
0x1f: {  	s28 =	simm.s32 $_size_execute0_lowered;
	s1 =	sadd.s32 s1, s4;
	[dreg:$0x0] =	wrdreg $0x0  }
0x20: {  	s4 =	sshll.u32 s28, $0x1;
	[dreg:$0x2] =	wrdreg s1  }
0x21: {  	[dreg:$0x3] =	wrdreg s4  }
0x22: {  	[dreg:$0x4] =	wrdreg $0xC0  }
0x23: {  	_ =	task [dreg:s6], $0x5FFFF  }
0x24: {  	[dreg:$0x1] =	wrdreg $0xFFFFFFFF  }
0x25: {  	[dreg:$0x0] =	wrdreg $0x60  }
0x26: {  	[dreg:$0x2] =	wrdreg s25  }
0x27: {  	[dreg:$0x3] =	wrdreg $0x9  }
0x28: {  	_ =	task.clear_ibuf [dreg:s6], $0x4FFFF;
	_ =	strace $0x90000046  }
0x29: {  	s29 =	simm.s32 $0x9;
	_ =	strace $0x80000048  }
0x2a: {  	_ =	swait.ge [sflag:s29], $0x1  }
0x2b: {  	[sflag:s29] =	ssyncadd.s32 $0xFFFFFFFF  }
0x2c: {  	_ =	strace $0x90000048  }
0x2d: {  	_ =	sfence  }
0x2e: {  	s30 =	sld [smem:$0x0];
	_ =	sdelay $0x2  }
0x2f: {  	s31 =	sshll.u32 s3, $0xD;
	s3 =	sshrl.u32 s3, $0x2  }
0x30: {  	s2 =	sand.u32 $0x4000, s31;
	s1 =	sadd.s32 s3, s30  }
0x31: {  	s0 =	sor.u32 s2, s0;
	s1 =	sshll.u32 s1, $0x11  }
0x32: {  	s0 =	sor.u32 s1, s0  }
0x33: {  	s0 =	sadd.s32 $0x8F2B, s0  }
0x34: {  	[sflag:s0] =	ssyncadd.remote.s32 $0x1  }
0x35: {  	_ =	sfence.sel $0xFFFF  }
0x36: {  	[dreg:$0x0] =	wrdreg $0xFFFFFFFF;
	(pc) =	sbr.abs _section_cstart, $3  }
0x37: {  	[dreg:$0x1] =	wrdreg $0xFFFFFFFF  }
0x38: {  	_ =	task.clear_ibuf [dreg:s6], $0x2FFFF;
	_ =	strace $0x9FFFFFFF  }
0x39: {  	(tm) =	ssettm $0x7FFFFFFF  }
tec
execute0_lowered:
.L_overlay_start_1:
0x0: {  	(tag) =	ssettag $0x1  }
0x1: {  	s3 =	stileid.u32  }
0x2: {  	s0 =	srdreg.scid;
	s5 =	rddreg [dreg:$0x0];
	_ =	strace $0x80000047  }
0x3: {  	s26 =	simm.s32 $0x2;
	s27 =	simm.s32 $0x80;
	s13 =	sadd.s32 $0x151C00, s5  }
0x4: {  	s7 =	simm.s32 $0x0;
	s14 =	sadd.s32 $0x1C00, s5;
	[dreg:$0x2] =	wrdreg s13  }
0x5: {  	s9 =	simm.s32 $0x0;
	s15 =	sadd.s32 $0x166C00, s5;
	[dreg:$0x3] =	wrdreg s14  }
0x6: {  	s8 =	simm.s32 $0x0;
	s16 =	sadd.s32 $0x17BC00, s5;
	[dreg:$0x4] =	wrdreg s15  }
0x7: {  	s28 =	simm.s32 $0x0;
	s17 =	sadd.s32 $0x190C00, s5;
	[dreg:$0x5] =	wrdreg s16  }
0x8: {  	s29 =	simm.s32 $0x0;
	s18 =	sadd.s32 $0x1A5C00, s5;
	[dreg:$0x6] =	wrdreg s17  }
0x9: {  	s30 =	simm.s32 $0x0;
	s19 =	sadd.s32 $0x1BAC00, s5;
	[dreg:$0x7] =	wrdreg s18  }
0xa: {  	s1 =	sshll.u32 s3, $0x4;
	s20 =	sadd.s32 $0x1CFC00, s5;
	[dreg:$0x8] =	wrdreg s19  }
0xb: {  	s0 =	sshll.u32 s0, $0x4;
	s21 =	sadd.s32 $0x1E4C00, s5;
	[dreg:$0x9] =	wrdreg s20  }
0xc: {  	s22 =	sadd.s32 $0x1F9C00, s5;
	s23 =	sadd.s32 $0x20EC00, s5;
	[dreg:$0xa] =	wrdreg s21  }
0xd: {  	s24 =	sadd.s32 $0x223C00, s5;
	s25 =	sadd.s32 $0x238C00, s5;
	[dreg:$0xb] =	wrdreg s22  }
0xe: {  	s2 =	sand.u32 $0x70, s1;
	s0 =	sand.u32 $0x10, s0;
	[dreg:$0xc] =	wrdreg s23  }
0xf: {  	s14 =	simm.s32 $0x1;
	[dreg:$0xd] =	wrdreg s24;
	s1 =	ssub.s32 $0x80, s2  }
0x10: {  	[dreg:$0xe] =	wrdreg s25;
	s0 =	sor.u32 s3, s0;
	s4 =	sand.u32 $0x70, s1  }
0x11: {  	s3 =	sshrl.u32 s0, $0x3;
	s0 =	simm.s32 $0x1;
	p0 =	sne.s32 s4, $0x0  }
0x12: {  	s1 =	sshrl.u32 s1, $0x7;
	s11 =	ssub.s32 $0x11, s3;
	s0 =	simm.s32 @!p0 $0x0  }
0x13: {  	s19 =	sadd.s32 $0x24DC00, s5;
	s12 =	sshrl.u32 s11, $0x2;
	s0 =	sadd.s32 s0, s1  }
0x14: {  	s20 =	sadd.s32 $0x262C00, s5;
	s21 =	sadd.s32 $0x277C00, s5;
	s0 =	smul.u32 s0, s12  }
.Ltmp0:
0x15: {  	s22 =	sadd.s32 $0x28CC00, s5;
	s23 =	sadd.s32 $0x16C00, s5;
	(pc) =	sbr.rel .LBB1_1-.Ltmp0, $4  }
0x16: {  	s25 =	simm.s32 $0x10;
	s5 =	simm.s32 $0x0;
	[sflag:s14] =	ssyncpa.u1 $0x0  }
0x17: {  	[sflag:s26] =	ssyncpa.u1 $0x0;
	s26 =	simm.s32 $0xC00;
	s6 =	smul.u32 $0x15, s0  }
0x18: {  	s4 =	simm.s32 $0x0;
	s31 =	smov.u32 s3;
	p0 =	por $0x0, $0x0  }
0x19: {  	s1 =	smov.u32 s2;
	s0 =	simm.s32 $0x0;
	s24 =	sadd.s32 $0x1, s6  }
.LBB1_9:
0x1a: {  	s10 =	sadd.s32 $0x2, s28  }
0x1b: {  	s4 =	simm.s32 $0x1;
	p2 =	sgt.s32 s10, $0xD  }
0x1c: {  	s4 =	simm.s32 @!p2 $0x0  }
0x1d: {  	s11 =	sadd.s32 s4, s29  }
0x1e: {  	s12 =	smov.u32 s30;
	s4 =	sadd.s32 $0x10, s30;
	p3 =	sgt.s32 s11, $0x2  }
0x1f: {  	s12 =	smov.u32 @p3 s4  }
0x20: {  	s13 =	smov.u32 s31;
	s4 =	sadd.s32 $0x4, s31;
	p4 =	sgt.s32 s12, $0xF  }
0x21: {  	p1 =	slt.u32 s0, $0x2;
	s15 =	smov.u32 s1;
	s13 =	smov.u32 @p4 s4  }
0x22: {  	s7 =	smov.u32 s29;
	s4 =	sadd.s32 $0x80, s1;
	p5 =	sgt.s32 s13, $0xD  }
0x23: {  	s9 =	smov.u32 s30;
	s8 =	smov.u32 s31;
	s15 =	smov.u32 @p5 s4  }
0x24: {  	s5 =	smov.u32 s1;
	s10 =	simm.s32 @p2 $0x0;
	p2 =	sgt.s32 s15, $0x7F  }
0x25: {  	s16 =	simm.s32 @!p1 $0x2;
	s15 =	smov.u32 @p2 s2;
	p2 =	sne.s32 s0, s24  }
.Ltmp1:
0x26: {  	p0 =	por !p0, !p0;
	_ =	swait.ge @!p1 [sflag:s16], $0x1000;
	(pc) =	sbr.rel @!p2 .LBB1_10-.Ltmp1, $4  }
0x27: {  	[sflag:s16] =	ssyncset.done @!p1 $0x0;
	s11 =	simm.s32 @p3 $0x0;
	s12 =	simm.s32 @p4 $0x0  }
0x28: {  	[sflag:s16] =	ssyncadd.s32 @!p1 $0xFFFFF000;
	s29 =	smov.u32 s11;
	s30 =	smov.u32 s12  }
0x29: {  	s13 =	smov.u32 @p5 s3;
	s4 =	smov.u32 s28;
	s28 =	smov.u32 s10  }
0x2a: {  	s31 =	smov.u32 s13;
	s0 =	sadd.s32 $0x1, s0;
	s1 =	smov.u32 s15  }
.LBB1_1:
0x2b: {  	p1 =	sge.u32 s0, s6  }
.Ltmp2:
0x2c: {  	_ = 	snop;
	(pc) =	sbr.rel @p1 .LBB1_3-.Ltmp2, $1  }
0x2d: {  	_ =	sdelay $0x3  }
0x2e: {  	s10 =	smul.u32 $0x15000, s1  }
0x2f: {  	s11 =	smul.u32 $0x1800, s31;
	_ =	sdelay $0x1  }
0x30: {  	s12 =	smul.u32 $0x180, s30;
	s15 =	rddreg [dreg:$0x2];
	s13 =	sadd.s32 s10, s11  }
0x31: {  	s16 =	sxor.u32 $0xFFFFFFFF, s0;
	s15 =	sadd.s32 s15, s13  }
0x32: {  	s17 =	sshll.u32 s28, $0x3;
	s13 =	sshll.u32 s29, $0x7;
	s18 =	sadd.s32 s12, s15  }
0x33: {  	s16 =	sshll.u32 s16, $0xC;
	s15 =	sand.u32 $0x70, s17;
	s18 =	sadd.s32 s13, s18  }
0x34: {  	s16 =	sand.u32 $0x1000, s16;
	s17 =	sadd.s32 s15, s18;
	s18 =	rddreg [dreg:$0x4]  }
0x35: {  	[tilespmem:s16], [sflag:$0x1] =	stream.strided.gather [hbm4b:s17+s25], $0x100, s26, s25, $0x38;
	[tilespmem:$0x4200] =	vst v63  }
0x36: {  	s17 =	sadd.s32 s10, s18  }
0x37: {  	s17 =	sadd.s32 s11, s17  }
0x38: {  	s17 =	sadd.s32 s12, s17  }
0x39: {  	s17 =	sadd.s32 s13, s17  }
0x3a: {  	s18 =	sor.u32 $0x100, s16;
	s17 =	sadd.s32 s15, s17  }
0x3b: {  	[tilespmem:s18], [sflag:$0x1] =	stream.strided.gather [hbm4b:s17+s25], $0x100, s26, s25, $0x38;
	[tilespmem:$0x4200] =	vst v63  }
0x3c: {  	s18 =	rddreg [dreg:$0x5]  }
0x3d: {  	s17 =	sadd.s32 s10, s18  }
0x3e: {  	s17 =	sadd.s32 s11, s17  }
0x3f: {  	s17 =	sadd.s32 s12, s17  }
0x40: {  	s17 =	sadd.s32 s13, s17  }
0x41: {  	s18 =	sor.u32 $0x200, s16;
	s17 =	sadd.s32 s15, s17  }
0x42: {  	[tilespmem:s18], [sflag:$0x1] =	stream.strided.gather [hbm4b:s17+s25], $0x100, s26, s25, $0x38;
	[tilespmem:$0x4200] =	vst v63  }
0x43: {  	s18 =	rddreg [dreg:$0x6]  }
0x44: {  	s17 =	sadd.s32 s10, s18  }
0x45: {  	s17 =	sadd.s32 s11, s17  }
0x46: {  	s17 =	sadd.s32 s12, s17  }
0x47: {  	s17 =	sadd.s32 s13, s17  }
0x48: {  	s18 =	sor.u32 $0x300, s16;
	s17 =	sadd.s32 s15, s17  }
0x49: {  	[tilespmem:s18], [sflag:$0x1] =	stream.strided.gather [hbm4b:s17+s25], $0x100, s26, s25, $0x38;
	[tilespmem:$0x4200] =	vst v63  }
0x4a: {  	s18 =	rddreg [dreg:$0x7]  }
0x4b: {  	s17 =	sadd.s32 s10, s18  }
0x4c: {  	s17 =	sadd.s32 s11, s17  }
0x4d: {  	s17 =	sadd.s32 s12, s17  }
0x4e: {  	s17 =	sadd.s32 s13, s17  }
0x4f: {  	s18 =	sor.u32 $0x400, s16;
	s17 =	sadd.s32 s15, s17  }
0x50: {  	[tilespmem:s18], [sflag:$0x1] =	stream.strided.gather [hbm4b:s17+s25], $0x100, s26, s25, $0x38;
	[tilespmem:$0x4200] =	vst v63  }
0x51: {  	s18 =	rddreg [dreg:$0x8]  }
0x52: {  	s17 =	sadd.s32 s10, s18  }
0x53: {  	s17 =	sadd.s32 s11, s17  }
0x54: {  	s17 =	sadd.s32 s12, s17  }
0x55: {  	s17 =	sadd.s32 s13, s17  }
0x56: {  	s18 =	sor.u32 $0x500, s16;
	s17 =	sadd.s32 s15, s17  }
0x57: {  	[tilespmem:s18], [sflag:$0x1] =	stream.strided.gather [hbm4b:s17+s25], $0x100, s26, s25, $0x38;
	[tilespmem:$0x4200] =	vst v63  }
0x58: {  	s18 =	rddreg [dreg:$0x9]  }
0x59: {  	s17 =	sadd.s32 s10, s18  }
0x5a: {  	s17 =	sadd.s32 s11, s17  }
0x5b: {  	s17 =	sadd.s32 s12, s17  }
0x5c: {  	s17 =	sadd.s32 s13, s17  }
0x5d: {  	s18 =	sor.u32 $0x600, s16;
	s17 =	sadd.s32 s15, s17  }
0x5e: {  	[tilespmem:s18], [sflag:$0x1] =	stream.strided.gather [hbm4b:s17+s25], $0x100, s26, s25, $0x38;
	[tilespmem:$0x4200] =	vst v63  }
0x5f: {  	s18 =	rddreg [dreg:$0xa]  }
0x60: {  	s17 =	sadd.s32 s10, s18  }
0x61: {  	s17 =	sadd.s32 s11, s17  }
0x62: {  	s17 =	sadd.s32 s12, s17  }
0x63: {  	s17 =	sadd.s32 s13, s17  }
0x64: {  	s18 =	sor.u32 $0x700, s16;
	s17 =	sadd.s32 s15, s17  }
0x65: {  	[tilespmem:s18], [sflag:$0x1] =	stream.strided.gather [hbm4b:s17+s25], $0x100, s26, s25, $0x38;
	[tilespmem:$0x4200] =	vst v63  }
0x66: {  	s18 =	rddreg [dreg:$0xb]  }
0x67: {  	s17 =	sadd.s32 s10, s18  }
0x68: {  	s17 =	sadd.s32 s11, s17  }
0x69: {  	s17 =	sadd.s32 s12, s17  }
0x6a: {  	s17 =	sadd.s32 s13, s17  }
0x6b: {  	s18 =	sor.u32 $0x800, s16;
	s17 =	sadd.s32 s15, s17  }
0x6c: {  	[tilespmem:s18], [sflag:$0x1] =	stream.strided.gather [hbm4b:s17+s25], $0x100, s26, s25, $0x38;
	[tilespmem:$0x4200] =	vst v63  }
0x6d: {  	s18 =	rddreg [dreg:$0xc]  }
0x6e: {  	s17 =	sadd.s32 s10, s18  }
0x6f: {  	s17 =	sadd.s32 s11, s17  }
0x70: {  	s17 =	sadd.s32 s12, s17  }
0x71: {  	s17 =	sadd.s32 s13, s17  }
0x72: {  	s18 =	sor.u32 $0x900, s16;
	s17 =	sadd.s32 s15, s17  }
0x73: {  	[tilespmem:s18], [sflag:$0x1] =	stream.strided.gather [hbm4b:s17+s25], $0x100, s26, s25, $0x38;
	[tilespmem:$0x4200] =	vst v63  }
0x74: {  	s18 =	rddreg [dreg:$0xd]  }
0x75: {  	s17 =	sadd.s32 s10, s18  }
0x76: {  	s17 =	sadd.s32 s11, s17  }
0x77: {  	s17 =	sadd.s32 s12, s17  }
0x78: {  	s17 =	sadd.s32 s13, s17  }
0x79: {  	s18 =	sor.u32 $0xA00, s16;
	s17 =	sadd.s32 s15, s17  }
0x7a: {  	[tilespmem:s18], [sflag:$0x1] =	stream.strided.gather [hbm4b:s17+s25], $0x100, s26, s25, $0x38;
	[tilespmem:$0x4200] =	vst v63  }
0x7b: {  	s18 =	rddreg [dreg:$0xe]  }
0x7c: {  	s17 =	sadd.s32 s10, s18  }
0x7d: {  	s17 =	sadd.s32 s11, s17  }
0x7e: {  	s17 =	sadd.s32 s12, s17  }
0x7f: {  	s17 =	sadd.s32 s13, s17  }
0x80: {  	s18 =	sor.u32 $0xB00, s16;
	s17 =	sadd.s32 s15, s17  }
0x81: {  	[tilespmem:s18], [sflag:$0x1] =	stream.strided.gather [hbm4b:s17+s25], $0x100, s26, s25, $0x38;
	[tilespmem:$0x4200] =	vst v63  }
0x82: {  	s18 =	sadd.s32 s10, s19  }
0x83: {  	s17 =	sadd.s32 s11, s18  }
0x84: {  	s17 =	sadd.s32 s12, s17  }
0x85: {  	s17 =	sadd.s32 s13, s17  }
0x86: {  	s18 =	sor.u32 $0xC00, s16;
	s17 =	sadd.s32 s15, s17  }
0x87: {  	[tilespmem:s18], [sflag:$0x1] =	stream.strided.gather [hbm4b:s17+s25], $0x100, s26, s25, $0x38;
	[tilespmem:$0x4200] =	vst v63  }
0x88: {  	s18 =	sadd.s32 s10, s20  }
0x89: {  	s17 =	sadd.s32 s11, s18  }
0x8a: {  	s17 =	sadd.s32 s12, s17  }
0x8b: {  	s17 =	sadd.s32 s13, s17  }
0x8c: {  	s18 =	sor.u32 $0xD00, s16;
	s17 =	sadd.s32 s15, s17  }
0x8d: {  	[tilespmem:s18], [sflag:$0x1] =	stream.strided.gather [hbm4b:s17+s25], $0x100, s26, s25, $0x38;
	[tilespmem:$0x4200] =	vst v63  }
0x8e: {  	s18 =	sadd.s32 s10, s21  }
0x8f: {  	s10 =	sadd.s32 s10, s22;
	s17 =	sadd.s32 s11, s18  }
0x90: {  	s10 =	sadd.s32 s11, s10;
	s17 =	sadd.s32 s12, s17  }
0x91: {  	s10 =	sadd.s32 s12, s10;
	s17 =	sadd.s32 s13, s17  }
0x92: {  	s18 =	sor.u32 $0xE00, s16;
	s10 =	sadd.s32 s13, s10;
	s17 =	sadd.s32 s15, s17  }
0x93: {  	[tilespmem:s18], [sflag:$0x1] =	stream.strided.gather [hbm4b:s17+s25], $0x100, s26, s25, $0x38;
	[tilespmem:$0x4200] =	vst v63  }
0x94: {  	s10 =	sadd.s32 s15, s10;
	s18 =	sor.u32 $0xF00, s16  }
0x95: {  	[tilespmem:s18], [sflag:$0x1] =	stream.strided.gather [hbm4b:s10+s25], $0x100, s26, s25, $0x38;
	[tilespmem:$0x4200] =	vst v63  }
.LBB1_3:
0x96: {  	s10 =	sadd.s32 $0xFFFFFFFF, s0  }
0x97: {  	p1 =	sge.u32 s10, s6  }
.Ltmp3:
0x98: {  	_ = 	snop;
	(pc) =	sbr.rel @p1 .LBB1_9-.Ltmp3, $1  }
0x99: {  	_ =	sdelay $0x3  }
0x9a: {  	s10 =	simm.s32 $0x1;
	s12 =	sand.u32 $0x1, s0  }
0x9b: {  	s10 =	simm.s32 @!p0 $0x0;
	s12 =	smul.u32 $0x4400, s12  }
0x9c: {  	_ =	swait.ge [sflag:s14], $0x1000;
	s11 =	smul.u32 $0x4400, s10  }
0x9d: {  	s15 =	simm.s32 $0x0;
	[sflag:s14] =	ssyncset.done $0x0;
	s10 =	sshll.u32 s10, $0xC  }
0x9e: {  	s13 =	sor.u32 $0x10, s10;
	s10 =	sshrl.u32 s12, $0x2;
	s11 =	sshrl.u32 s11, $0x2  }
0x9f: {  	[sflag:s14] =	ssyncadd.s32 $0xFFFFF000;
	s17 =	sadd.s32 $0x2880, s11;
	s11 =	sor.u32 $0x2000, s10  }
.LBB1_5:
0xa0: {  	v1 =	vld [tilespmem:s13+$0xFFFFFFF0]  }
0xa1: {  	v2 =	vld [tilespmem:s13+$0x0];
	_ =	sdelay $0x4  }
0xa2: {  	s16 =	sadd.s32 $0x20, s13;
	v3 =	vunpack.i.l.s16.s32 v1;
	v4 =	vunpack.i.l.s16.s32 v2  }
0xa3: {  	v0 =	vld [tilespmem:s16+$0xFFFFFFF0];
	v2 =	vunpack.i.u.s16.s32 v2;
	v5 =	vunpack.i.u.s16.s32 v1;
	v3 =	vpack.i.b32.b16 v4, v3  }
0xa4: {  	s18 =	simm.s32 $0x2;
	s12 =	smov.u32 s17;
	v1 =	vld [tilespmem:s16+$0x0];
	v2 =	vpack.i.b32.b16 v2, v5;
	[tilespmem:s17+$0xFFFFF780 ss:$0x88] =	vst.msk $0xffff, v3  }
.LBB1_6:
0xa5: {  	s18 =	sadd.s32 $0x2, s18  }
0xa6: {  	[tilespmem:s12+$0x0 ss:$0x88] =	vst.msk $0xffff, v2;
	s12 =	sadd.s32 $0x11, s12;
	p1 =	slt.u32 s18, $0xE  }
.Ltmp4:
0xa7: {  	(pc) =	sbr.rel @p1 .LBB1_6-.Ltmp4, $4  }
0xa8: {  	s16 =	sadd.s32 $0x20, s16;
	v2 =	vmov v0  }
0xa9: {  	v0 =	vld [tilespmem:s16+$0xFFFFFFF0];
	v3 =	vunpack.i.l.s16.s32 v2;
	v4 =	vunpack.i.u.s16.s32 v1;
	v5 =	vunpack.i.l.s16.s32 v1  }
0xaa: {  	v2 =	vunpack.i.u.s16.s32 v2;
	v1 =	vld [tilespmem:s16+$0x0];
	v3 =	vpack.i.b32.b16 v5, v3  }
0xab: {  	v2 =	vpack.i.b32.b16 v4, v2;
	[tilespmem:s12+$0xFFFFF780 ss:$0x88] =	vst.msk $0xffff, v3  }
0xac: {  	s15 =	sadd.s32 $0x1, s15  }
0xad: {  	p1 =	sne.s32 s15, $0x10  }
.Ltmp5:
0xae: {  	_ = 	snop;
	(pc) =	sbr.rel @p1 .LBB1_5-.Ltmp5, $4  }
0xaf: {  	v3 =	vunpack.i.l.s16.s32 v0;
	v4 =	vunpack.i.l.s16.s32 v1  }
0xb0: {  	[tilespmem:s12+$0x0 ss:$0x88] =	vst.msk $0xffff, v2;
	s18 =	sadd.s32 $0x11, s12;
	v62 =	vunpack.i.u.s16.s32 v0;
	v61 =	vunpack.i.u.s16.s32 v1;
	v63 =	vpack.i.b32.b16 v4, v3  }
0xb1: {  	v0 =	vpack.i.b32.b16 v61, v62;
	[tilespmem:s18+$0xFFFFF780 ss:$0x88] =	vst.msk $0xffff, v63  }
0xb2: {  	s17 =	sadd.s32 $0x1, s17;
	s13 =	sadd.s32 $0x100, s13;
	[tilespmem:s18+$0x0 ss:$0x88] =	vst.msk $0xffff, v0  }
0xb3: {  	s9 =	sshll.u32 s9, $0x7  }
0xb4: {  	s12 =	sshll.u32 s5, $0x3;
	s18 =	sshll.u32 s5, $0x1;
	s8 =	smul.u32 $0x1800, s8  }
0xb5: {  	s7 =	sshll.u32 s7, $0xB;
	s15 =	sshrl.u32 s5, $0x3;
	s4 =	smul.u32 $0x15000, s4  }
0xb6: {  	s17 =	sand.u32 $0x7, s5;
	s13 =	sand.u32 $0x400, s9;
	s12 =	sand.u32 $0x400, s12  }
0xb7: {  	s9 =	sand.u32 $0x300, s9;
	s5 =	sshll.u32 s17, $0x12;
	s12 =	sadd.s32 s12, s13  }
0xb8: {  	s13 =	sand.u32 $0x80, s18;
	s16 =	sadd.s32 s8, s7;
	s8 =	sadd.s32 s8, s23  }
0xb9: {  	s9 =	sor.u32 s9, s12;
	s12 =	sand.u32 $0x7, s15;
	s15 =	rddreg [dreg:$0x3]  }
0xba: {  	s9 =	sor.u32 s13, s9;
	s13 =	sadd.s32 s15, s16;
	s8 =	sadd.s32 s12, s8  }
0xbb: {  	s9 =	sshrl.u32 s9, $0x4;
	s13 =	sadd.s32 s12, s13;
	s7 =	sadd.s32 s7, s8  }
.Ltmp6:
0xbc: {  	s9 =	sand.u32 $0x78, s9;
	s13 =	sadd.s32 s4, s13;
	(pc) =	sbr.rel .LBB1_9-.Ltmp6, $4  }
0xbd: {  	s5 =	sor.u32 $0x10, s5;
	s4 =	sadd.s32 s4, s7;
	s13 =	sadd.s32 s9, s13  }
0xbe: {  	[hbm4b:s13+s5] =	stream.strided.scatter [tilespmem:s11], [sflag:$0x2], $0x800, s27, s5, $0x8;
	[tilespmem:$0x4200] =	vst v63  }
0xbf: {  	s18 =	sadd.s32 $0x2880, s10;
	s4 =	sadd.s32 s9, s4  }
0xc0: {  	[hbm4b:s4+s5] =	stream.strided.scatter [tilespmem:s18], [sflag:$0x2], $0x800, s27, s5, $0x8;
	[tilespmem:$0x4200] =	vst v63  }
.LBB1_10:
0xc1: {  	_ =	sfence.sel $0x180000  }
0xc2: {  	s0 =	simm.s32 $0x1;
	[bflag:$0x0] =	sbarrier.arrive $0xFFFF  }
0xc3: {  	s30 =	simm.s32 $0x2;
	[sflag:s0] =	ssyncpa.u1 $0x1  }
0xc4: {  	[sflag:s30] =	ssyncpa.u1 $0x1  }
0xc5: {  	_ =	strace $0x90000047  }
0xc6: {  	s31 =	stileid.u32;
	[bflag:$0x2] =	sbarrier.arrive $0xFFFF  }
0xc7: {  	p0 =	sne.s32 s31, $0x0;
	s0 =	rddreg [dreg:$0x1]  }
0xc8: {  	s0 =	sadd.s32 @!p0 $0x100000, s0  }
0xc9: {  	[sflag:s0] =	ssyncadd.tile.s32 @!p0 $0x1;
	_ =	shalt  }
.Lfunc_end1:
_tile_overlayer_lowered:
.L_overlay_start_2:
0xca: {  	(tag) =	ssettag $0x2  }
0xcb: {  	s0 =	rddreg [dreg:$0x0];
	s2 =	stileid.u32  }
0xcc: {  	s1 =	rddreg [dreg:$0x1];
	p0 =	sne.s32 s2, $0x0  }
0xcd: {  	s3 =	rddreg [dreg:$0x2];
	[bflag:$0x3] =	sbarrier.arrive $0xFFFF;
	s2 =	simm.s32 @!p0 $0x1C01  }
0xce: {  	[timem:s3], [sflag:s2] =	dma.local @!p0 [hbm:s0], s1  }
0xcf: {  	s0 =	simm.s32 @!p0 $0x1  }
0xd0: {  	_ =	swait.ge @!p0 [sflag:s0], s1  }
0xd1: {  	s1 =	ssub.s32 @!p0 $0x0, s1;
	[sflag:s0] =	ssyncset.done @!p0 $0x0  }
0xd2: {  	[sflag:s0] =	ssyncadd.s32 @!p0 s1  }
0xd3: {  	[bflag:$0x3] =	sbarrier.arrive $0xFFFF  }
0xd4: {  	_ =	shalt  }

</sc_bundles>
